<compile_context>
chip_gen: v7x
topology: tpu7x:2x2x1
jax: 0.10.2.dev20260603
libtpu: 0.0.44.dev20260713+nightly
codegen_flags: <defaults>
</compile_context>

<pallas_src>
import functools

import numpy as np
import jax
import jax.numpy as jnp
from jax import lax
from jax.experimental import pallas as pl
from jax.experimental.pallas import tpu as pltpu
from jax.experimental.pallas import tpu_sc as plsc

_D = 64
_VOCAB = 32
_NCH = 10
_EPS = 1e-5


def _pe32_np():
    position = np.arange(200, dtype=np.float32)[:, None]
    div = np.exp(np.arange(0, _D, 2, dtype=np.float32) * (np.log(10000.0) / _D))
    pe = np.zeros((200, _D), dtype=np.float32)
    pe[:, 0::2] = np.sin(position * div)
    pe[:, 1::2] = np.cos(position * div)
    return pe[:_VOCAB]


def _prep_body(bb, y_ref, ch_ref, mzemb_ref, pe_ref, embw_ref,
               chw_ref, g1_ref, b1_ref, g2_ref, b2_ref, o_ref, idx_ref):
    L = y_ref.shape[1]
    t = pe_ref[...] + embw_ref[...]
    tm = jnp.mean(t, axis=1, keepdims=True)
    tc = t - tm
    tv = jnp.mean(tc * tc, axis=1, keepdims=True)
    t32 = tc * lax.rsqrt(tv + _EPS) * g1_ref[...] + b1_ref[...]

    ohc = (ch_ref[...] == lax.broadcasted_iota(jnp.int32, (bb, _NCH), 1)
           ).astype(jnp.float32)
    c = jnp.dot(ohc, chw_ref[...], preferred_element_type=jnp.float32)
    c = c + mzemb_ref[...]

    t32d = jnp.concatenate([t32, t32], axis=1)
    cd = jnp.concatenate([c, c], axis=1)
    x = (t32d[None, :, :] + cd[:, None, :]).reshape(bb * _VOCAB, 2 * _D)
    ones = jnp.full((2 * _D, 2 * _D), 1.0 / (2 * _D), jnp.float32)
    m = jnp.dot(x, ones, preferred_element_type=jnp.float32)
    e2 = jnp.dot(x * x, ones, preferred_element_type=jnp.float32)
    a = lax.rsqrt(e2 - m * m + _EPS)
    o_ref[...] = (x - m) * (a * g2_ref[...]) + b2_ref[...]

    i = pl.program_id(0)
    brow = lax.broadcasted_iota(jnp.int32, (bb, L), 0) + i * bb
    idx_ref[...] = brow * _VOCAB + y_ref[...]


def _sc_body(nb, nw, L, o_hbm, idx_hbm, out_hbm, idx_v, rows0, rows1,
             semg, semo0, semo1):
    B = idx_hbm.shape[0] // L
    bpw = B // nw
    nchunks = bpw // nb
    npos = nb * L
    wid = lax.axis_index("s") * 2 + lax.axis_index("c")
    p0 = wid * bpw * L

    rows = [rows0, rows1]
    semo = [semo0, semo1]
    pending = [None, None]
    for ci in range(nchunks):
        base = p0 + ci * npos
        rb = rows[ci % 2]
        if pending[ci % 2] is not None:
            pending[ci % 2].wait()
        pltpu.sync_copy(idx_hbm.at[pl.ds(base, npos)], idx_v)
        pltpu.async_copy(o_hbm.at[idx_v], rb, semg).wait()
        pending[ci % 2] = pltpu.async_copy(
            rb.at[:, pl.ds(0, _D)], out_hbm.at[pl.ds(base, npos)],
            semo[ci % 2])
    for p in pending:
        if p is not None:
            p.wait()


def _pipeline_half(y, charge2, mzemb, pe32, emb_w, charge_w,
                   ln1_g, ln1_b, g2d, b2d):
    B, L = y.shape
    bb = 256

    o_all, idx_rows = pl.pallas_call(
        functools.partial(_prep_body, bb),
        grid=(B // bb,),
        in_specs=[
            pl.BlockSpec((bb, L), lambda i: (i, 0)),
            pl.BlockSpec((bb, 1), lambda i: (i, 0)),
            pl.BlockSpec((bb, _D), lambda i: (i, 0)),
            pl.BlockSpec((_VOCAB, _D), lambda i: (0, 0)),
            pl.BlockSpec((_VOCAB, _D), lambda i: (0, 0)),
            pl.BlockSpec((_NCH, _D), lambda i: (0, 0)),
            pl.BlockSpec((1, _D), lambda i: (0, 0)),
            pl.BlockSpec((1, _D), lambda i: (0, 0)),
            pl.BlockSpec((1, 2 * _D), lambda i: (0, 0)),
            pl.BlockSpec((1, 2 * _D), lambda i: (0, 0)),
        ],
        out_specs=[
            pl.BlockSpec((bb * _VOCAB, 2 * _D), lambda i: (i, 0)),
            pl.BlockSpec((bb, L), lambda i: (i, 0)),
        ],
        out_shape=[
            jax.ShapeDtypeStruct((B * _VOCAB, 2 * _D), jnp.float32),
            jax.ShapeDtypeStruct((B, L), jnp.int32),
        ],
    )(y, charge2, mzemb, pe32, emb_w, charge_w,
      ln1_g[None], ln1_b[None], g2d, b2d)

    info = plsc.get_sparse_core_info()
    nw = info.num_cores * info.num_subcores
    nb = 8
    mesh = plsc.VectorSubcoreMesh(core_axis_name="c", subcore_axis_name="s")

    sc = functools.partial(
        pl.kernel,
        mesh=mesh,
        compiler_params=pltpu.CompilerParams(needs_layout_passes=False,
                                             use_tc_tiling_on_sc=False),
        out_type=jax.ShapeDtypeStruct((B * L, _D), jnp.float32),
        scratch_types=[
            pltpu.VMEM((nb * L,), jnp.int32),
            pltpu.VMEM((nb * L, 2 * _D), jnp.float32),
            pltpu.VMEM((nb * L, 2 * _D), jnp.float32),
            pltpu.SemaphoreType.DMA,
            pltpu.SemaphoreType.DMA,
            pltpu.SemaphoreType.DMA,
        ],
    )(functools.partial(_sc_body, nb, nw, L))
    return sc(o_all, idx_rows.reshape(B * L))


def kernel(y, charge, mz, emb_w, charge_w, ln1_g, ln1_b, ln2_g, ln2_b):
    B, L = y.shape
    l_min = 0.001
    l_max = 10000.0
    idx = (mz[:, None] * (1.0 / l_min)).astype(jnp.int32).astype(jnp.float32)
    div = (l_max / l_min) * jnp.exp(
        jnp.arange(0, _D, 2, dtype=jnp.float32) * (-np.log(l_min / 2 * np.pi) / _D))
    ang = idx[..., None] * div
    mzemb = jnp.stack([jnp.sin(ang), jnp.cos(ang)], axis=-1).reshape(B, _D)

    pe32 = jnp.asarray(_pe32_np())
    g2d = jnp.concatenate([ln2_g, ln2_g])[None]
    b2d = jnp.concatenate([ln2_b, ln2_b])[None]
    charge2 = charge[:, None]

    flat = _pipeline_half(y, charge2, mzemb, pe32, emb_w, charge_w,
                          ln1_g, ln1_b, g2d, b2d)
    return flat.reshape(B, L, _D)

# --- scband reference (transcript-rebuilt; emitter-appended) ---
"""Pipeline reference for scband-peptide-precursor-embedding-44384192037162 (READ-ONLY COPY).

The authoritative reference and input builder live on the scoring server;
editing this copy changes nothing except your own understanding.
"""

import jax, jax.numpy as jnp
import numpy as np

D = 64
B = 4096
L = 50
VOCAB = 32


def _pos_pe(d_model=D, max_len=200):
    position = np.arange(max_len, dtype=np.float32)[:, None]
    div = np.exp(np.arange(0, d_model, 2, dtype=np.float32) * (np.log(10000.0) / d_model))
    pe = np.zeros((max_len, d_model), dtype=np.float32)
    pe[:, 0::2] = np.sin(position * div)
    pe[:, 1::2] = np.cos(position * div)
    return jnp.asarray(pe)


def _ln(x, g, b, eps=1e-5):
    m = jnp.mean(x, axis=-1, keepdims=True)
    v = jnp.var(x, axis=-1, keepdims=True)
    return (x - m) / jnp.sqrt(v + eps) * g + b


def _mz_enc(mz, d_model=D):
    # Mathematically identical to indexing the (1e7 x d_model) MZ pe buffer:
    # pe[i, 0::2] = sin(i * div), pe[i, 1::2] = cos(i * div); computed analytically
    # at the gathered integer positions to avoid materializing 2.56GB.
    l_min = 0.001
    l_max = 10000.0
    idx = (mz * (1.0 / l_min)).astype(jnp.int32).astype(jnp.float32)
    div = (l_max / l_min) * jnp.exp(
        jnp.arange(0, d_model, 2, dtype=jnp.float32) * (-np.log(l_min / 2 * np.pi) / d_model)
    )
    ang = idx[..., None] * div
    return jnp.stack([jnp.sin(ang), jnp.cos(ang)], axis=-1).reshape(*mz.shape, d_model)


def setup_inputs(seed: int = 0):
    key = jax.random.key(seed)
    ks = [jax.random.fold_in(key, i) for i in range(5)]
    y = jax.random.randint(ks[0], (B, L), 0, VOCAB, dtype=jnp.int32)
    charge = jax.random.randint(ks[1], (B,), 0, 10, dtype=jnp.int32)
    mz = jax.random.uniform(ks[2], (B,), dtype=jnp.float32)
    emb_w = jax.random.normal(ks[3], (VOCAB, D), dtype=jnp.float32) * 0.05
    charge_w = jax.random.normal(ks[4], (10, D), dtype=jnp.float32) * 0.05
    ln1_g = jnp.ones((D,), dtype=jnp.float32)
    ln1_b = jnp.zeros((D,), dtype=jnp.float32)
    ln2_g = jnp.ones((D,), dtype=jnp.float32)
    ln2_b = jnp.zeros((D,), dtype=jnp.float32)
    return {"y": y, "charge": charge, "mz": mz, "emb_w": emb_w, "charge_w": charge_w,
            "ln1_g": ln1_g, "ln1_b": ln1_b, "ln2_g": ln2_g, "ln2_b": ln2_b}


def reference(y, charge, mz, emb_w, charge_w, ln1_g, ln1_b, ln2_g, ln2_b):
    pe = _pos_pe()
    pos_emb = jnp.take(pe, y, axis=0)          # [B, L, D]
    pep = jnp.take(emb_w, y, axis=0)           # [B, L, D]
    pep_emb = _ln(pos_emb + pep, ln1_g, ln1_b)
    ch_emb = jnp.take(charge_w, charge[:, None], axis=0)  # [B, 1, D]
    mz_emb = _mz_enc(mz[:, None])                          # [B, 1, D]
    return _ln(pep_emb + ch_emb + mz_emb, ln2_g, ln2_b)

if __name__ == "__main__":
    import jax
    _d = setup_inputs()
    print(jax.jit(kernel)(*tuple(_d.values())))

</pallas_src>

<mosaic_0001>
#map = affine_map<(d0, d1) -> (0, 0)>
#map1 = affine_map<(d0, d1) -> (0)>
module attributes {stable_mosaic.version = 14 : i64} {
  func.func @_sc_body(%arg0: i32, %arg1: i32, %arg2: memref<131072x128xf32, #tpu.memory_space<hbm>>, %arg3: memref<204800xi32, #tpu.memory_space<hbm>>, %arg4: memref<204800x64xf32, #tpu.memory_space<hbm>>, %arg5: memref<400xi32, #tpu.memory_space<vmem>>, %arg6: memref<400x128xf32, #tpu.memory_space<vmem>>, %arg7: memref<400x128xf32, #tpu.memory_space<vmem>>, %arg8: memref<!tpu.dma_semaphore, #tpu.memory_space<semaphore_mem>>, %arg9: memref<!tpu.dma_semaphore, #tpu.memory_space<semaphore_mem>>, %arg10: memref<!tpu.dma_semaphore, #tpu.memory_space<semaphore_mem>>) attributes {dimension_semantics = [#tpu.dimension_semantics<core_parallel>, #tpu.dimension_semantics<subcore_parallel>], iteration_bounds = array<i64: 2, 16>, scalar_prefetch = 0 : i64, scratch_operands = 6 : i64, tpu.core_type = #tpu.core_type<sc_vector_subcore>, window_params = [{transform_indices = #map}, {transform_indices = #map1}, {transform_indices = #map}]} {
    %mul3A = arith.constant 2 : i32
    %mul3A_0 = arith.muli %arg1, %mul3A : i32
    %add3A = arith.addi %mul3A_0, %arg0 : i32
    %mul3A_1 = arith.constant 128 : i32
    %mul3A_2 = arith.muli %add3A, %mul3A_1 : i32
    %mul3A_3 = arith.constant 50 : i32
    %mul3A_4 = arith.muli %mul3A_2, %mul3A_3 : i32
    %add3A_5 = arith.constant 0 : i32
    %add3A_6 = arith.addi %mul3A_4, %add3A_5 : i32
    "tpu.region"() ({
      %run_scoped3A = tpu.sem_alloc : memref<!tpu.dma_semaphore, #tpu.memory_space<semaphore_mem>>
      %dma_start3A_451 = tpu.memref_slice %arg3[%add3A_6] : memref<204800xi32, #tpu.memory_space<hbm>> -> memref<400xi32, #tpu.memory_space<hbm>>
      %dma_start3A_452 = tpu.memref_slice %arg3[%add3A_6] : memref<204800xi32, #tpu.memory_space<hbm>> -> memref<400xi32, #tpu.memory_space<hbm>>
      tpu.enqueue_dma source(%dma_start3A_452 : memref<400xi32, #tpu.memory_space<hbm>>) target(%arg5 : memref<400xi32, #tpu.memory_space<vmem>>) target_semaphore(%run_scoped3A : memref<!tpu.dma_semaphore, #tpu.memory_space<semaphore_mem>>)
      %dma_wait3A_453 = tpu.memref_slice %arg3[%add3A_6] : memref<204800xi32, #tpu.memory_space<hbm>> -> memref<400xi32, #tpu.memory_space<hbm>>
      %dma_wait3A_454 = tpu.memref_slice %arg3[%add3A_6] : memref<204800xi32, #tpu.memory_space<hbm>> -> memref<400xi32, #tpu.memory_space<hbm>>
      tpu.wait_dma2 semaphore(%run_scoped3A : memref<!tpu.dma_semaphore, #tpu.memory_space<semaphore_mem>>) src(%dma_wait3A_454 : memref<400xi32, #tpu.memory_space<hbm>>) dst(%arg5 : memref<400xi32, #tpu.memory_space<vmem>>)
      tpu.yield
    }) : () -> ()
    %dma_start3A = arith.constant 0 : i32
    %dma_start3A_7 = arith.constant 0 : i32
    %dma_start3A_8 = tpu.memref_slice %arg2[%dma_start3A, %dma_start3A_7] : memref<131072x128xf32, #tpu.memory_space<hbm>> -> memref<131072x128xf32, #tpu.memory_space<hbm>>
    tpu.enqueue_indirect_dma source(%dma_start3A_8 : memref<131072x128xf32, #tpu.memory_space<hbm>>) target(%arg6 : memref<400x128xf32, #tpu.memory_space<vmem>>) offsets(%arg5 : memref<400xi32, #tpu.memory_space<vmem>>) semaphore(%arg8 : memref<!tpu.dma_semaphore, #tpu.memory_space<semaphore_mem>>)
    %dma_wait3A = arith.constant 0 : i32
    %dma_wait3A_9 = arith.constant 0 : i32
    %dma_wait3A_10 = tpu.memref_slice %arg2[%dma_wait3A, %dma_wait3A_9] : memref<131072x128xf32, #tpu.memory_space<hbm>> -> memref<131072x128xf32, #tpu.memory_space<hbm>>
    tpu.wait_indirect_dma semaphore(%arg8 : memref<!tpu.dma_semaphore, #tpu.memory_space<semaphore_mem>>) src(%dma_wait3A_10 : memref<131072x128xf32, #tpu.memory_space<hbm>>) dst(%arg6 : memref<400x128xf32, #tpu.memory_space<vmem>>)
    %dma_start3A_11 = arith.constant 0 : i32
    %dma_start3A_12 = arith.constant 0 : i32
    %dma_start3A_13 = tpu.memref_slice %arg6[%dma_start3A_11, %dma_start3A_12] : memref<400x128xf32, #tpu.memory_space<vmem>> -> memref<400x64xf32, #tpu.memory_space<vmem>>
    %dma_start3A_14 = arith.constant 0 : i32
    %dma_start3A_15 = tpu.memref_slice %arg4[%add3A_6, %dma_start3A_14] : memref<204800x64xf32, #tpu.memory_space<hbm>> -> memref<400x64xf32, #tpu.memory_space<hbm>>
    %dma_start3A_16 = arith.constant 0 : i32
    %dma_start3A_17 = tpu.memref_slice %arg4[%add3A_6, %dma_start3A_16] : memref<204800x64xf32, #tpu.memory_space<hbm>> -> memref<400x64xf32, #tpu.memory_space<hbm>>
    %dma_start3A_18 = arith.constant 0 : i32
    %dma_start3A_19 = arith.constant 0 : i32
    %dma_start3A_20 = tpu.memref_slice %arg6[%dma_start3A_18, %dma_start3A_19] : memref<400x128xf32, #tpu.memory_space<vmem>> -> memref<400x64xf32, #tpu.memory_space<vmem>>
    tpu.enqueue_dma source(%dma_start3A_20 : memref<400x64xf32, #tpu.memory_space<vmem>>) target(%dma_start3A_17 : memref<400x64xf32, #tpu.memory_space<hbm>>) target_semaphore(%arg9 : memref<!tpu.dma_semaphore, #tpu.memory_space<semaphore_mem>>)
    %add3A_21 = arith.constant 400 : i32
    %add3A_22 = arith.addi %mul3A_4, %add3A_21 : i32
    "tpu.region"() ({
      %run_scoped3A = tpu.sem_alloc : memref<!tpu.dma_semaphore, #tpu.memory_space<semaphore_mem>>
      %dma_start3A_451 = tpu.memref_slice %arg3[%add3A_22] : memref<204800xi32, #tpu.memory_space<hbm>> -> memref<400xi32, #tpu.memory_space<hbm>>
      %dma_start3A_452 = tpu.memref_slice %arg3[%add3A_22] : memref<204800xi32, #tpu.memory_space<hbm>> -> memref<400xi32, #tpu.memory_space<hbm>>
      tpu.enqueue_dma source(%dma_start3A_452 : memref<400xi32, #tpu.memory_space<hbm>>) target(%arg5 : memref<400xi32, #tpu.memory_space<vmem>>) target_semaphore(%run_scoped3A : memref<!tpu.dma_semaphore, #tpu.memory_space<semaphore_mem>>)
      %dma_wait3A_453 = tpu.memref_slice %arg3[%add3A_22] : memref<204800xi32, #tpu.memory_space<hbm>> -> memref<400xi32, #tpu.memory_space<hbm>>
      %dma_wait3A_454 = tpu.memref_slice %arg3[%add3A_22] : memref<204800xi32, #tpu.memory_space<hbm>> -> memref<400xi32, #tpu.memory_space<hbm>>
      tpu.wait_dma2 semaphore(%run_scoped3A : memref<!tpu.dma_semaphore, #tpu.memory_space<semaphore_mem>>) src(%dma_wait3A_454 : memref<400xi32, #tpu.memory_space<hbm>>) dst(%arg5 : memref<400xi32, #tpu.memory_space<vmem>>)
      tpu.yield
    }) : () -> ()
    %dma_start3A_23 = arith.constant 0 : i32
    %dma_start3A_24 = arith.constant 0 : i32
    %dma_start3A_25 = tpu.memref_slice %arg2[%dma_start3A_23, %dma_start3A_24] : memref<131072x128xf32, #tpu.memory_space<hbm>> -> memref<131072x128xf32, #tpu.memory_space<hbm>>
    tpu.enqueue_indirect_dma source(%dma_start3A_25 : memref<131072x128xf32, #tpu.memory_space<hbm>>) target(%arg7 : memref<400x128xf32, #tpu.memory_space<vmem>>) offsets(%arg5 : memref<400xi32, #tpu.memory_space<vmem>>) semaphore(%arg8 : memref<!tpu.dma_semaphore, #tpu.memory_space<semaphore_mem>>)
    %dma_wait3A_26 = arith.constant 0 : i32
    %dma_wait3A_27 = arith.constant 0 : i32
    %dma_wait3A_28 = tpu.memref_slice %arg2[%dma_wait3A_26, %dma_wait3A_27] : memref<131072x128xf32, #tpu.memory_space<hbm>> -> memref<131072x128xf32, #tpu.memory_space<hbm>>
    tpu.wait_indirect_dma semaphore(%arg8 : memref<!tpu.dma_semaphore, #tpu.memory_space<semaphore_mem>>) src(%dma_wait3A_28 : memref<131072x128xf32, #tpu.memory_space<hbm>>) dst(%arg7 : memref<400x128xf32, #tpu.memory_space<vmem>>)
    %dma_start3A_29 = arith.constant 0 : i32
    %dma_start3A_30 = arith.constant 0 : i32
    %dma_start3A_31 = tpu.memref_slice %arg7[%dma_start3A_29, %dma_start3A_30] : memref<400x128xf32, #tpu.memory_space<vmem>> -> memref<400x64xf32, #tpu.memory_space<vmem>>
    %dma_start3A_32 = arith.constant 0 : i32
    %dma_start3A_33 = tpu.memref_slice %arg4[%add3A_22, %dma_start3A_32] : memref<204800x64xf32, #tpu.memory_space<hbm>> -> memref<400x64xf32, #tpu.memory_space<hbm>>
    %dma_start3A_34 = arith.constant 0 : i32
    %dma_start3A_35 = tpu.memref_slice %arg4[%add3A_22, %dma_start3A_34] : memref<204800x64xf32, #tpu.memory_space<hbm>> -> memref<400x64xf32, #tpu.memory_space<hbm>>
    %dma_start3A_36 = arith.constant 0 : i32
    %dma_start3A_37 = arith.constant 0 : i32
    %dma_start3A_38 = tpu.memref_slice %arg7[%dma_start3A_36, %dma_start3A_37] : memref<400x128xf32, #tpu.memory_space<vmem>> -> memref<400x64xf32, #tpu.memory_space<vmem>>
    tpu.enqueue_dma source(%dma_start3A_38 : memref<400x64xf32, #tpu.memory_space<vmem>>) target(%dma_start3A_35 : memref<400x64xf32, #tpu.memory_space<hbm>>) target_semaphore(%arg10 : memref<!tpu.dma_semaphore, #tpu.memory_space<semaphore_mem>>)
    %add3A_39 = arith.constant 800 : i32
    %add3A_40 = arith.addi %mul3A_4, %add3A_39 : i32
    %dma_wait3A_41 = arith.constant 0 : i32
    %dma_wait3A_42 = arith.constant 0 : i32
    %dma_wait3A_43 = tpu.memref_slice %arg6[%dma_wait3A_41, %dma_wait3A_42] : memref<400x128xf32, #tpu.memory_space<vmem>> -> memref<400x64xf32, #tpu.memory_space<vmem>>
    %dma_wait3A_44 = arith.constant 0 : i32
    %dma_wait3A_45 = tpu.memref_slice %arg4[%add3A_6, %dma_wait3A_44] : memref<204800x64xf32, #tpu.memory_space<hbm>> -> memref<400x64xf32, #tpu.memory_space<hbm>>
    %dma_wait3A_46 = arith.constant 0 : i32
    %dma_wait3A_47 = tpu.memref_slice %arg4[%add3A_6, %dma_wait3A_46] : memref<204800x64xf32, #tpu.memory_space<hbm>> -> memref<400x64xf32, #tpu.memory_space<hbm>>
    %dma_wait3A_48 = arith.constant 0 : i32
    %dma_wait3A_49 = arith.constant 0 : i32
    %dma_wait3A_50 = tpu.memref_slice %arg6[%dma_wait3A_48, %dma_wait3A_49] : memref<400x128xf32, #tpu.memory_space<vmem>> -> memref<400x64xf32, #tpu.memory_space<vmem>>
    tpu.wait_dma2 semaphore(%arg9 : memref<!tpu.dma_semaphore, #tpu.memory_space<semaphore_mem>>) src(%dma_wait3A_50 : memref<400x64xf32, #tpu.memory_space<vmem>>) dst(%dma_wait3A_47 : memref<400x64xf32, #tpu.memory_space<hbm>>)
    "tpu.region"() ({
      %run_scoped3A = tpu.sem_alloc : memref<!tpu.dma_semaphore, #tpu.memory_space<semaphore_mem>>
      %dma_start3A_451 = tpu.memref_slice %arg3[%add3A_40] : memref<204800xi32, #tpu.memory_space<hbm>> -> memref<400xi32, #tpu.memory_space<hbm>>
      %dma_start3A_452 = tpu.memref_slice %arg3[%add3A_40] : memref<204800xi32, #tpu.memory_space<hbm>> -> memref<400xi32, #tpu.memory_space<hbm>>
      tpu.enqueue_dma source(%dma_start3A_452 : memref<400xi32, #tpu.memory_space<hbm>>) target(%arg5 : memref<400xi32, #tpu.memory_space<vmem>>) target_semaphore(%run_scoped3A : memref<!tpu.dma_semaphore, #tpu.memory_space<semaphore_mem>>)
      %dma_wait3A_453 = tpu.memref_slice %arg3[%add3A_40] : memref<204800xi32, #tpu.memory_space<hbm>> -> memref<400xi32, #tpu.memory_space<hbm>>
      %dma_wait3A_454 = tpu.memref_slice %arg3[%add3A_40] : memref<204800xi32, #tpu.memory_space<hbm>> -> memref<400xi32, #tpu.memory_space<hbm>>
      tpu.wait_dma2 semaphore(%run_scoped3A : memref<!tpu.dma_semaphore, #tpu.memory_space<semaphore_mem>>) src(%dma_wait3A_454 : memref<400xi32, #tpu.memory_space<hbm>>) dst(%arg5 : memref<400xi32, #tpu.memory_space<vmem>>)
      tpu.yield
    }) : () -> ()
    %dma_start3A_51 = arith.constant 0 : i32
    %dma_start3A_52 = arith.constant 0 : i32
    %dma_start3A_53 = tpu.memref_slice %arg2[%dma_start3A_51, %dma_start3A_52] : memref<131072x128xf32, #tpu.memory_space<hbm>> -> memref<131072x128xf32, #tpu.memory_space<hbm>>
    tpu.enqueue_indirect_dma source(%dma_start3A_53 : memref<131072x128xf32, #tpu.memory_space<hbm>>) target(%arg6 : memref<400x128xf32, #tpu.memory_space<vmem>>) offsets(%arg5 : memref<400xi32, #tpu.memory_space<vmem>>) semaphore(%arg8 : memref<!tpu.dma_semaphore, #tpu.memory_space<semaphore_mem>>)
    %dma_wait3A_54 = arith.constant 0 : i32
    %dma_wait3A_55 = arith.constant 0 : i32
    %dma_wait3A_56 = tpu.memref_slice %arg2[%dma_wait3A_54, %dma_wait3A_55] : memref<131072x128xf32, #tpu.memory_space<hbm>> -> memref<131072x128xf32, #tpu.memory_space<hbm>>
    tpu.wait_indirect_dma semaphore(%arg8 : memref<!tpu.dma_semaphore, #tpu.memory_space<semaphore_mem>>) src(%dma_wait3A_56 : memref<131072x128xf32, #tpu.memory_space<hbm>>) dst(%arg6 : memref<400x128xf32, #tpu.memory_space<vmem>>)
    %dma_start3A_57 = arith.constant 0 : i32
    %dma_start3A_58 = arith.constant 0 : i32
    %dma_start3A_59 = tpu.memref_slice %arg6[%dma_start3A_57, %dma_start3A_58] : memref<400x128xf32, #tpu.memory_space<vmem>> -> memref<400x64xf32, #tpu.memory_space<vmem>>
    %dma_start3A_60 = arith.constant 0 : i32
    %dma_start3A_61 = tpu.memref_slice %arg4[%add3A_40, %dma_start3A_60] : memref<204800x64xf32, #tpu.memory_space<hbm>> -> memref<400x64xf32, #tpu.memory_space<hbm>>
    %dma_start3A_62 = arith.constant 0 : i32
    %dma_start3A_63 = tpu.memref_slice %arg4[%add3A_40, %dma_start3A_62] : memref<204800x64xf32, #tpu.memory_space<hbm>> -> memref<400x64xf32, #tpu.memory_space<hbm>>
    %dma_start3A_64 = arith.constant 0 : i32
    %dma_start3A_65 = arith.constant 0 : i32
    %dma_start3A_66 = tpu.memref_slice %arg6[%dma_start3A_64, %dma_start3A_65] : memref<400x128xf32, #tpu.memory_space<vmem>> -> memref<400x64xf32, #tpu.memory_space<vmem>>
    tpu.enqueue_dma source(%dma_start3A_66 : memref<400x64xf32, #tpu.memory_space<vmem>>) target(%dma_start3A_63 : memref<400x64xf32, #tpu.memory_space<hbm>>) target_semaphore(%arg9 : memref<!tpu.dma_semaphore, #tpu.memory_space<semaphore_mem>>)
    %add3A_67 = arith.constant 1200 : i32
    %add3A_68 = arith.addi %mul3A_4, %add3A_67 : i32
    %dma_wait3A_69 = arith.constant 0 : i32
    %dma_wait3A_70 = arith.constant 0 : i32
    %dma_wait3A_71 = tpu.memref_slice %arg7[%dma_wait3A_69, %dma_wait3A_70] : memref<400x128xf32, #tpu.memory_space<vmem>> -> memref<400x64xf32, #tpu.memory_space<vmem>>
    %dma_wait3A_72 = arith.constant 0 : i32
    %dma_wait3A_73 = tpu.memref_slice %arg4[%add3A_22, %dma_wait3A_72] : memref<204800x64xf32, #tpu.memory_space<hbm>> -> memref<400x64xf32, #tpu.memory_space<hbm>>
    %dma_wait3A_74 = arith.constant 0 : i32
    %dma_wait3A_75 = tpu.memref_slice %arg4[%add3A_22, %dma_wait3A_74] : memref<204800x64xf32, #tpu.memory_space<hbm>> -> memref<400x64xf32, #tpu.memory_space<hbm>>
    %dma_wait3A_76 = arith.constant 0 : i32
    %dma_wait3A_77 = arith.constant 0 : i32
    %dma_wait3A_78 = tpu.memref_slice %arg7[%dma_wait3A_76, %dma_wait3A_77] : memref<400x128xf32, #tpu.memory_space<vmem>> -> memref<400x64xf32, #tpu.memory_space<vmem>>
    tpu.wait_dma2 semaphore(%arg10 : memref<!tpu.dma_semaphore, #tpu.memory_space<semaphore_mem>>) src(%dma_wait3A_78 : memref<400x64xf32, #tpu.memory_space<vmem>>) dst(%dma_wait3A_75 : memref<400x64xf32, #tpu.memory_space<hbm>>)
    "tpu.region"() ({
      %run_scoped3A = tpu.sem_alloc : memref<!tpu.dma_semaphore, #tpu.memory_space<semaphore_mem>>
      %dma_start3A_451 = tpu.memref_slice %arg3[%add3A_68] : memref<204800xi32, #tpu.memory_space<hbm>> -> memref<400xi32, #tpu.memory_space<hbm>>
      %dma_start3A_452 = tpu.memref_slice %arg3[%add3A_68] : memref<204800xi32, #tpu.memory_space<hbm>> -> memref<400xi32, #tpu.memory_space<hbm>>
      tpu.enqueue_dma source(%dma_start3A_452 : memref<400xi32, #tpu.memory_space<hbm>>) target(%arg5 : memref<400xi32, #tpu.memory_space<vmem>>) target_semaphore(%run_scoped3A : memref<!tpu.dma_semaphore, #tpu.memory_space<semaphore_mem>>)
      %dma_wait3A_453 = tpu.memref_slice %arg3[%add3A_68] : memref<204800xi32, #tpu.memory_space<hbm>> -> memref<400xi32, #tpu.memory_space<hbm>>
      %dma_wait3A_454 = tpu.memref_slice %arg3[%add3A_68] : memref<204800xi32, #tpu.memory_space<hbm>> -> memref<400xi32, #tpu.memory_space<hbm>>
      tpu.wait_dma2 semaphore(%run_scoped3A : memref<!tpu.dma_semaphore, #tpu.memory_space<semaphore_mem>>) src(%dma_wait3A_454 : memref<400xi32, #tpu.memory_space<hbm>>) dst(%arg5 : memref<400xi32, #tpu.memory_space<vmem>>)
      tpu.yield
    }) : () -> ()
    %dma_start3A_79 = arith.constant 0 : i32
    %dma_start3A_80 = arith.constant 0 : i32
    %dma_start3A_81 = tpu.memref_slice %arg2[%dma_start3A_79, %dma_start3A_80] : memref<131072x128xf32, #tpu.memory_space<hbm>> -> memref<131072x128xf32, #tpu.memory_space<hbm>>
    tpu.enqueue_indirect_dma source(%dma_start3A_81 : memref<131072x128xf32, #tpu.memory_space<hbm>>) target(%arg7 : memref<400x128xf32, #tpu.memory_space<vmem>>) offsets(%arg5 : memref<400xi32, #tpu.memory_space<vmem>>) semaphore(%arg8 : memref<!tpu.dma_semaphore, #tpu.memory_space<semaphore_mem>>)
    %dma_wait3A_82 = arith.constant 0 : i32
    %dma_wait3A_83 = arith.constant 0 : i32
    %dma_wait3A_84 = tpu.memref_slice %arg2[%dma_wait3A_82, %dma_wait3A_83] : memref<131072x128xf32, #tpu.memory_space<hbm>> -> memref<131072x128xf32, #tpu.memory_space<hbm>>
    tpu.wait_indirect_dma semaphore(%arg8 : memref<!tpu.dma_semaphore, #tpu.memory_space<semaphore_mem>>) src(%dma_wait3A_84 : memref<131072x128xf32, #tpu.memory_space<hbm>>) dst(%arg7 : memref<400x128xf32, #tpu.memory_space<vmem>>)
    %dma_start3A_85 = arith.constant 0 : i32
    %dma_start3A_86 = arith.constant 0 : i32
    %dma_start3A_87 = tpu.memref_slice %arg7[%dma_start3A_85, %dma_start3A_86] : memref<400x128xf32, #tpu.memory_space<vmem>> -> memref<400x64xf32, #tpu.memory_space<vmem>>
    %dma_start3A_88 = arith.constant 0 : i32
    %dma_start3A_89 = tpu.memref_slice %arg4[%add3A_68, %dma_start3A_88] : memref<204800x64xf32, #tpu.memory_space<hbm>> -> memref<400x64xf32, #tpu.memory_space<hbm>>
    %dma_start3A_90 = arith.constant 0 : i32
    %dma_start3A_91 = tpu.memref_slice %arg4[%add3A_68, %dma_start3A_90] : memref<204800x64xf32, #tpu.memory_space<hbm>> -> memref<400x64xf32, #tpu.memory_space<hbm>>
    %dma_start3A_92 = arith.constant 0 : i32
    %dma_start3A_93 = arith.constant 0 : i32
    %dma_start3A_94 = tpu.memref_slice %arg7[%dma_start3A_92, %dma_start3A_93] : memref<400x128xf32, #tpu.memory_space<vmem>> -> memref<400x64xf32, #tpu.memory_space<vmem>>
    tpu.enqueue_dma source(%dma_start3A_94 : memref<400x64xf32, #tpu.memory_space<vmem>>) target(%dma_start3A_91 : memref<400x64xf32, #tpu.memory_space<hbm>>) target_semaphore(%arg10 : memref<!tpu.dma_semaphore, #tpu.memory_space<semaphore_mem>>)
    %add3A_95 = arith.constant 1600 : i32
    %add3A_96 = arith.addi %mul3A_4, %add3A_95 : i32
    %dma_wait3A_97 = arith.constant 0 : i32
    %dma_wait3A_98 = arith.constant 0 : i32
    %dma_wait3A_99 = tpu.memref_slice %arg6[%dma_wait3A_97, %dma_wait3A_98] : memref<400x128xf32, #tpu.memory_space<vmem>> -> memref<400x64xf32, #tpu.memory_space<vmem>>
    %dma_wait3A_100 = arith.constant 0 : i32
    %dma_wait3A_101 = tpu.memref_slice %arg4[%add3A_40, %dma_wait3A_100] : memref<204800x64xf32, #tpu.memory_space<hbm>> -> memref<400x64xf32, #tpu.memory_space<hbm>>
    %dma_wait3A_102 = arith.constant 0 : i32
    %dma_wait3A_103 = tpu.memref_slice %arg4[%add3A_40, %dma_wait3A_102] : memref<204800x64xf32, #tpu.memory_space<hbm>> -> memref<400x64xf32, #tpu.memory_space<hbm>>
    %dma_wait3A_104 = arith.constant 0 : i32
    %dma_wait3A_105 = arith.constant 0 : i32
    %dma_wait3A_106 = tpu.memref_slice %arg6[%dma_wait3A_104, %dma_wait3A_105] : memref<400x128xf32, #tpu.memory_space<vmem>> -> memref<400x64xf32, #tpu.memory_space<vmem>>
    tpu.wait_dma2 semaphore(%arg9 : memref<!tpu.dma_semaphore, #tpu.memory_space<semaphore_mem>>) src(%dma_wait3A_106 : memref<400x64xf32, #tpu.memory_space<vmem>>) dst(%dma_wait3A_103 : memref<400x64xf32, #tpu.memory_space<hbm>>)
    "tpu.region"() ({
      %run_scoped3A = tpu.sem_alloc : memref<!tpu.dma_semaphore, #tpu.memory_space<semaphore_mem>>
      %dma_start3A_451 = tpu.memref_slice %arg3[%add3A_96] : memref<204800xi32, #tpu.memory_space<hbm>> -> memref<400xi32, #tpu.memory_space<hbm>>
      %dma_start3A_452 = tpu.memref_slice %arg3[%add3A_96] : memref<204800xi32, #tpu.memory_space<hbm>> -> memref<400xi32, #tpu.memory_space<hbm>>
      tpu.enqueue_dma source(%dma_start3A_452 : memref<400xi32, #tpu.memory_space<hbm>>) target(%arg5 : memref<400xi32, #tpu.memory_space<vmem>>) target_semaphore(%run_scoped3A : memref<!tpu.dma_semaphore, #tpu.memory_space<semaphore_mem>>)
      %dma_wait3A_453 = tpu.memref_slice %arg3[%add3A_96] : memref<204800xi32, #tpu.memory_space<hbm>> -> memref<400xi32, #tpu.memory_space<hbm>>
      %dma_wait3A_454 = tpu.memref_slice %arg3[%add3A_96] : memref<204800xi32, #tpu.memory_space<hbm>> -> memref<400xi32, #tpu.memory_space<hbm>>
      tpu.wait_dma2 semaphore(%run_scoped3A : memref<!tpu.dma_semaphore, #tpu.memory_space<semaphore_mem>>) src(%dma_wait3A_454 : memref<400xi32, #tpu.memory_space<hbm>>) dst(%arg5 : memref<400xi32, #tpu.memory_space<vmem>>)
      tpu.yield
    }) : () -> ()
    %dma_start3A_107 = arith.constant 0 : i32
    %dma_start3A_108 = arith.constant 0 : i32
    %dma_start3A_109 = tpu.memref_slice %arg2[%dma_start3A_107, %dma_start3A_108] : memref<131072x128xf32, #tpu.memory_space<hbm>> -> memref<131072x128xf32, #tpu.memory_space<hbm>>
    tpu.enqueue_indirect_dma source(%dma_start3A_109 : memref<131072x128xf32, #tpu.memory_space<hbm>>) target(%arg6 : memref<400x128xf32, #tpu.memory_space<vmem>>) offsets(%arg5 : memref<400xi32, #tpu.memory_space<vmem>>) semaphore(%arg8 : memref<!tpu.dma_semaphore, #tpu.memory_space<semaphore_mem>>)
    %dma_wait3A_110 = arith.constant 0 : i32
    %dma_wait3A_111 = arith.constant 0 : i32
    %dma_wait3A_112 = tpu.memref_slice %arg2[%dma_wait3A_110, %dma_wait3A_111] : memref<131072x128xf32, #tpu.memory_space<hbm>> -> memref<131072x128xf32, #tpu.memory_space<hbm>>
    tpu.wait_indirect_dma semaphore(%arg8 : memref<!tpu.dma_semaphore, #tpu.memory_space<semaphore_mem>>) src(%dma_wait3A_112 : memref<131072x128xf32, #tpu.memory_space<hbm>>) dst(%arg6 : memref<400x128xf32, #tpu.memory_space<vmem>>)
    %dma_start3A_113 = arith.constant 0 : i32
    %dma_start3A_114 = arith.constant 0 : i32
    %dma_start3A_115 = tpu.memref_slice %arg6[%dma_start3A_113, %dma_start3A_114] : memref<400x128xf32, #tpu.memory_space<vmem>> -> memref<400x64xf32, #tpu.memory_space<vmem>>
    %dma_start3A_116 = arith.constant 0 : i32
    %dma_start3A_117 = tpu.memref_slice %arg4[%add3A_96, %dma_start3A_116] : memref<204800x64xf32, #tpu.memory_space<hbm>> -> memref<400x64xf32, #tpu.memory_space<hbm>>
    %dma_start3A_118 = arith.constant 0 : i32
    %dma_start3A_119 = tpu.memref_slice %arg4[%add3A_96, %dma_start3A_118] : memref<204800x64xf32, #tpu.memory_space<hbm>> -> memref<400x64xf32, #tpu.memory_space<hbm>>
    %dma_start3A_120 = arith.constant 0 : i32
    %dma_start3A_121 = arith.constant 0 : i32
    %dma_start3A_122 = tpu.memref_slice %arg6[%dma_start3A_120, %dma_start3A_121] : memref<400x128xf32, #tpu.memory_space<vmem>> -> memref<400x64xf32, #tpu.memory_space<vmem>>
    tpu.enqueue_dma source(%dma_start3A_122 : memref<400x64xf32, #tpu.memory_space<vmem>>) target(%dma_start3A_119 : memref<400x64xf32, #tpu.memory_space<hbm>>) target_semaphore(%arg9 : memref<!tpu.dma_semaphore, #tpu.memory_space<semaphore_mem>>)
    %add3A_123 = arith.constant 2000 : i32
    %add3A_124 = arith.addi %mul3A_4, %add3A_123 : i32
    %dma_wait3A_125 = arith.constant 0 : i32
    %dma_wait3A_126 = arith.constant 0 : i32
    %dma_wait3A_127 = tpu.memref_slice %arg7[%dma_wait3A_125, %dma_wait3A_126] : memref<400x128xf32, #tpu.memory_space<vmem>> -> memref<400x64xf32, #tpu.memory_space<vmem>>
    %dma_wait3A_128 = arith.constant 0 : i32
    %dma_wait3A_129 = tpu.memref_slice %arg4[%add3A_68, %dma_wait3A_128] : memref<204800x64xf32, #tpu.memory_space<hbm>> -> memref<400x64xf32, #tpu.memory_space<hbm>>
    %dma_wait3A_130 = arith.constant 0 : i32
    %dma_wait3A_131 = tpu.memref_slice %arg4[%add3A_68, %dma_wait3A_130] : memref<204800x64xf32, #tpu.memory_space<hbm>> -> memref<400x64xf32, #tpu.memory_space<hbm>>
    %dma_wait3A_132 = arith.constant 0 : i32
    %dma_wait3A_133 = arith.constant 0 : i32
    %dma_wait3A_134 = tpu.memref_slice %arg7[%dma_wait3A_132, %dma_wait3A_133] : memref<400x128xf32, #tpu.memory_space<vmem>> -> memref<400x64xf32, #tpu.memory_space<vmem>>
    tpu.wait_dma2 semaphore(%arg10 : memref<!tpu.dma_semaphore, #tpu.memory_space<semaphore_mem>>) src(%dma_wait3A_134 : memref<400x64xf32, #tpu.memory_space<vmem>>) dst(%dma_wait3A_131 : memref<400x64xf32, #tpu.memory_space<hbm>>)
    "tpu.region"() ({
      %run_scoped3A = tpu.sem_alloc : memref<!tpu.dma_semaphore, #tpu.memory_space<semaphore_mem>>
      %dma_start3A_451 = tpu.memref_slice %arg3[%add3A_124] : memref<204800xi32, #tpu.memory_space<hbm>> -> memref<400xi32, #tpu.memory_space<hbm>>
      %dma_start3A_452 = tpu.memref_slice %arg3[%add3A_124] : memref<204800xi32, #tpu.memory_space<hbm>> -> memref<400xi32, #tpu.memory_space<hbm>>
      tpu.enqueue_dma source(%dma_start3A_452 : memref<400xi32, #tpu.memory_space<hbm>>) target(%arg5 : memref<400xi32, #tpu.memory_space<vmem>>) target_semaphore(%run_scoped3A : memref<!tpu.dma_semaphore, #tpu.memory_space<semaphore_mem>>)
      %dma_wait3A_453 = tpu.memref_slice %arg3[%add3A_124] : memref<204800xi32, #tpu.memory_space<hbm>> -> memref<400xi32, #tpu.memory_space<hbm>>
      %dma_wait3A_454 = tpu.memref_slice %arg3[%add3A_124] : memref<204800xi32, #tpu.memory_space<hbm>> -> memref<400xi32, #tpu.memory_space<hbm>>
      tpu.wait_dma2 semaphore(%run_scoped3A : memref<!tpu.dma_semaphore, #tpu.memory_space<semaphore_mem>>) src(%dma_wait3A_454 : memref<400xi32, #tpu.memory_space<hbm>>) dst(%arg5 : memref<400xi32, #tpu.memory_space<vmem>>)
      tpu.yield
    }) : () -> ()
    %dma_start3A_135 = arith.constant 0 : i32
    %dma_start3A_136 = arith.constant 0 : i32
    %dma_start3A_137 = tpu.memref_slice %arg2[%dma_start3A_135, %dma_start3A_136] : memref<131072x128xf32, #tpu.memory_space<hbm>> -> memref<131072x128xf32, #tpu.memory_space<hbm>>
    tpu.enqueue_indirect_dma source(%dma_start3A_137 : memref<131072x128xf32, #tpu.memory_space<hbm>>) target(%arg7 : memref<400x128xf32, #tpu.memory_space<vmem>>) offsets(%arg5 : memref<400xi32, #tpu.memory_space<vmem>>) semaphore(%arg8 : memref<!tpu.dma_semaphore, #tpu.memory_space<semaphore_mem>>)
    %dma_wait3A_138 = arith.constant 0 : i32
    %dma_wait3A_139 = arith.constant 0 : i32
    %dma_wait3A_140 = tpu.memref_slice %arg2[%dma_wait3A_138, %dma_wait3A_139] : memref<131072x128xf32, #tpu.memory_space<hbm>> -> memref<131072x128xf32, #tpu.memory_space<hbm>>
    tpu.wait_indirect_dma semaphore(%arg8 : memref<!tpu.dma_semaphore, #tpu.memory_space<semaphore_mem>>) src(%dma_wait3A_140 : memref<131072x128xf32, #tpu.memory_space<hbm>>) dst(%arg7 : memref<400x128xf32, #tpu.memory_space<vmem>>)
    %dma_start3A_141 = arith.constant 0 : i32
    %dma_start3A_142 = arith.constant 0 : i32
    %dma_start3A_143 = tpu.memref_slice %arg7[%dma_start3A_141, %dma_start3A_142] : memref<400x128xf32, #tpu.memory_space<vmem>> -> memref<400x64xf32, #tpu.memory_space<vmem>>
    %dma_start3A_144 = arith.constant 0 : i32
    %dma_start3A_145 = tpu.memref_slice %arg4[%add3A_124, %dma_start3A_144] : memref<204800x64xf32, #tpu.memory_space<hbm>> -> memref<400x64xf32, #tpu.memory_space<hbm>>
    %dma_start3A_146 = arith.constant 0 : i32
    %dma_start3A_147 = tpu.memref_slice %arg4[%add3A_124, %dma_start3A_146] : memref<204800x64xf32, #tpu.memory_space<hbm>> -> memref<400x64xf32, #tpu.memory_space<hbm>>
    %dma_start3A_148 = arith.constant 0 : i32
    %dma_start3A_149 = arith.constant 0 : i32
    %dma_start3A_150 = tpu.memref_slice %arg7[%dma_start3A_148, %dma_start3A_149] : memref<400x128xf32, #tpu.memory_space<vmem>> -> memref<400x64xf32, #tpu.memory_space<vmem>>
    tpu.enqueue_dma source(%dma_start3A_150 : memref<400x64xf32, #tpu.memory_space<vmem>>) target(%dma_start3A_147 : memref<400x64xf32, #tpu.memory_space<hbm>>) target_semaphore(%arg10 : memref<!tpu.dma_semaphore, #tpu.memory_space<semaphore_mem>>)
    %add3A_151 = arith.constant 2400 : i32
    %add3A_152 = arith.addi %mul3A_4, %add3A_151 : i32
    %dma_wait3A_153 = arith.constant 0 : i32
    %dma_wait3A_154 = arith.constant 0 : i32
    %dma_wait3A_155 = tpu.memref_slice %arg6[%dma_wait3A_153, %dma_wait3A_154] : memref<400x128xf32, #tpu.memory_space<vmem>> -> memref<400x64xf32, #tpu.memory_space<vmem>>
    %dma_wait3A_156 = arith.constant 0 : i32
    %dma_wait3A_157 = tpu.memref_slice %arg4[%add3A_96, %dma_wait3A_156] : memref<204800x64xf32, #tpu.memory_space<hbm>> -> memref<400x64xf32, #tpu.memory_space<hbm>>
    %dma_wait3A_158 = arith.constant 0 : i32
    %dma_wait3A_159 = tpu.memref_slice %arg4[%add3A_96, %dma_wait3A_158] : memref<204800x64xf32, #tpu.memory_space<hbm>> -> memref<400x64xf32, #tpu.memory_space<hbm>>
    %dma_wait3A_160 = arith.constant 0 : i32
    %dma_wait3A_161 = arith.constant 0 : i32
    %dma_wait3A_162 = tpu.memref_slice %arg6[%dma_wait3A_160, %dma_wait3A_161] : memref<400x128xf32, #tpu.memory_space<vmem>> -> memref<400x64xf32, #tpu.memory_space<vmem>>
    tpu.wait_dma2 semaphore(%arg9 : memref<!tpu.dma_semaphore, #tpu.memory_space<semaphore_mem>>) src(%dma_wait3A_162 : memref<400x64xf32, #tpu.memory_space<vmem>>) dst(%dma_wait3A_159 : memref<400x64xf32, #tpu.memory_space<hbm>>)
    "tpu.region"() ({
      %run_scoped3A = tpu.sem_alloc : memref<!tpu.dma_semaphore, #tpu.memory_space<semaphore_mem>>
      %dma_start3A_451 = tpu.memref_slice %arg3[%add3A_152] : memref<204800xi32, #tpu.memory_space<hbm>> -> memref<400xi32, #tpu.memory_space<hbm>>
      %dma_start3A_452 = tpu.memref_slice %arg3[%add3A_152] : memref<204800xi32, #tpu.memory_space<hbm>> -> memref<400xi32, #tpu.memory_space<hbm>>
      tpu.enqueue_dma source(%dma_start3A_452 : memref<400xi32, #tpu.memory_space<hbm>>) target(%arg5 : memref<400xi32, #tpu.memory_space<vmem>>) target_semaphore(%run_scoped3A : memref<!tpu.dma_semaphore, #tpu.memory_space<semaphore_mem>>)
      %dma_wait3A_453 = tpu.memref_slice %arg3[%add3A_152] : memref<204800xi32, #tpu.memory_space<hbm>> -> memref<400xi32, #tpu.memory_space<hbm>>
      %dma_wait3A_454 = tpu.memref_slice %arg3[%add3A_152] : memref<204800xi32, #tpu.memory_space<hbm>> -> memref<400xi32, #tpu.memory_space<hbm>>
      tpu.wait_dma2 semaphore(%run_scoped3A : memref<!tpu.dma_semaphore, #tpu.memory_space<semaphore_mem>>) src(%dma_wait3A_454 : memref<400xi32, #tpu.memory_space<hbm>>) dst(%arg5 : memref<400xi32, #tpu.memory_space<vmem>>)
      tpu.yield
    }) : () -> ()
    %dma_start3A_163 = arith.constant 0 : i32
    %dma_start3A_164 = arith.constant 0 : i32
    %dma_start3A_165 = tpu.memref_slice %arg2[%dma_start3A_163, %dma_start3A_164] : memref<131072x128xf32, #tpu.memory_space<hbm>> -> memref<131072x128xf32, #tpu.memory_space<hbm>>
    tpu.enqueue_indirect_dma source(%dma_start3A_165 : memref<131072x128xf32, #tpu.memory_space<hbm>>) target(%arg6 : memref<400x128xf32, #tpu.memory_space<vmem>>) offsets(%arg5 : memref<400xi32, #tpu.memory_space<vmem>>) semaphore(%arg8 : memref<!tpu.dma_semaphore, #tpu.memory_space<semaphore_mem>>)
    %dma_wait3A_166 = arith.constant 0 : i32
    %dma_wait3A_167 = arith.constant 0 : i32
    %dma_wait3A_168 = tpu.memref_slice %arg2[%dma_wait3A_166, %dma_wait3A_167] : memref<131072x128xf32, #tpu.memory_space<hbm>> -> memref<131072x128xf32, #tpu.memory_space<hbm>>
    tpu.wait_indirect_dma semaphore(%arg8 : memref<!tpu.dma_semaphore, #tpu.memory_space<semaphore_mem>>) src(%dma_wait3A_168 : memref<131072x128xf32, #tpu.memory_space<hbm>>) dst(%arg6 : memref<400x128xf32, #tpu.memory_space<vmem>>)
    %dma_start3A_169 = arith.constant 0 : i32
    %dma_start3A_170 = arith.constant 0 : i32
    %dma_start3A_171 = tpu.memref_slice %arg6[%dma_start3A_169, %dma_start3A_170] : memref<400x128xf32, #tpu.memory_space<vmem>> -> memref<400x64xf32, #tpu.memory_space<vmem>>
    %dma_start3A_172 = arith.constant 0 : i32
    %dma_start3A_173 = tpu.memref_slice %arg4[%add3A_152, %dma_start3A_172] : memref<204800x64xf32, #tpu.memory_space<hbm>> -> memref<400x64xf32, #tpu.memory_space<hbm>>
    %dma_start3A_174 = arith.constant 0 : i32
    %dma_start3A_175 = tpu.memref_slice %arg4[%add3A_152, %dma_start3A_174] : memref<204800x64xf32, #tpu.memory_space<hbm>> -> memref<400x64xf32, #tpu.memory_space<hbm>>
    %dma_start3A_176 = arith.constant 0 : i32
    %dma_start3A_177 = arith.constant 0 : i32
    %dma_start3A_178 = tpu.memref_slice %arg6[%dma_start3A_176, %dma_start3A_177] : memref<400x128xf32, #tpu.memory_space<vmem>> -> memref<400x64xf32, #tpu.memory_space<vmem>>
    tpu.enqueue_dma source(%dma_start3A_178 : memref<400x64xf32, #tpu.memory_space<vmem>>) target(%dma_start3A_175 : memref<400x64xf32, #tpu.memory_space<hbm>>) target_semaphore(%arg9 : memref<!tpu.dma_semaphore, #tpu.memory_space<semaphore_mem>>)
    %add3A_179 = arith.constant 2800 : i32
    %add3A_180 = arith.addi %mul3A_4, %add3A_179 : i32
    %dma_wait3A_181 = arith.constant 0 : i32
    %dma_wait3A_182 = arith.constant 0 : i32
    %dma_wait3A_183 = tpu.memref_slice %arg7[%dma_wait3A_181, %dma_wait3A_182] : memref<400x128xf32, #tpu.memory_space<vmem>> -> memref<400x64xf32, #tpu.memory_space<vmem>>
    %dma_wait3A_184 = arith.constant 0 : i32
    %dma_wait3A_185 = tpu.memref_slice %arg4[%add3A_124, %dma_wait3A_184] : memref<204800x64xf32, #tpu.memory_space<hbm>> -> memref<400x64xf32, #tpu.memory_space<hbm>>
    %dma_wait3A_186 = arith.constant 0 : i32
    %dma_wait3A_187 = tpu.memref_slice %arg4[%add3A_124, %dma_wait3A_186] : memref<204800x64xf32, #tpu.memory_space<hbm>> -> memref<400x64xf32, #tpu.memory_space<hbm>>
    %dma_wait3A_188 = arith.constant 0 : i32
    %dma_wait3A_189 = arith.constant 0 : i32
    %dma_wait3A_190 = tpu.memref_slice %arg7[%dma_wait3A_188, %dma_wait3A_189] : memref<400x128xf32, #tpu.memory_space<vmem>> -> memref<400x64xf32, #tpu.memory_space<vmem>>
    tpu.wait_dma2 semaphore(%arg10 : memref<!tpu.dma_semaphore, #tpu.memory_space<semaphore_mem>>) src(%dma_wait3A_190 : memref<400x64xf32, #tpu.memory_space<vmem>>) dst(%dma_wait3A_187 : memref<400x64xf32, #tpu.memory_space<hbm>>)
    "tpu.region"() ({
      %run_scoped3A = tpu.sem_alloc : memref<!tpu.dma_semaphore, #tpu.memory_space<semaphore_mem>>
      %dma_start3A_451 = tpu.memref_slice %arg3[%add3A_180] : memref<204800xi32, #tpu.memory_space<hbm>> -> memref<400xi32, #tpu.memory_space<hbm>>
      %dma_start3A_452 = tpu.memref_slice %arg3[%add3A_180] : memref<204800xi32, #tpu.memory_space<hbm>> -> memref<400xi32, #tpu.memory_space<hbm>>
      tpu.enqueue_dma source(%dma_start3A_452 : memref<400xi32, #tpu.memory_space<hbm>>) target(%arg5 : memref<400xi32, #tpu.memory_space<vmem>>) target_semaphore(%run_scoped3A : memref<!tpu.dma_semaphore, #tpu.memory_space<semaphore_mem>>)
      %dma_wait3A_453 = tpu.memref_slice %arg3[%add3A_180] : memref<204800xi32, #tpu.memory_space<hbm>> -> memref<400xi32, #tpu.memory_space<hbm>>
      %dma_wait3A_454 = tpu.memref_slice %arg3[%add3A_180] : memref<204800xi32, #tpu.memory_space<hbm>> -> memref<400xi32, #tpu.memory_space<hbm>>
      tpu.wait_dma2 semaphore(%run_scoped3A : memref<!tpu.dma_semaphore, #tpu.memory_space<semaphore_mem>>) src(%dma_wait3A_454 : memref<400xi32, #tpu.memory_space<hbm>>) dst(%arg5 : memref<400xi32, #tpu.memory_space<vmem>>)
      tpu.yield
    }) : () -> ()
    %dma_start3A_191 = arith.constant 0 : i32
    %dma_start3A_192 = arith.constant 0 : i32
    %dma_start3A_193 = tpu.memref_slice %arg2[%dma_start3A_191, %dma_start3A_192] : memref<131072x128xf32, #tpu.memory_space<hbm>> -> memref<131072x128xf32, #tpu.memory_space<hbm>>
    tpu.enqueue_indirect_dma source(%dma_start3A_193 : memref<131072x128xf32, #tpu.memory_space<hbm>>) target(%arg7 : memref<400x128xf32, #tpu.memory_space<vmem>>) offsets(%arg5 : memref<400xi32, #tpu.memory_space<vmem>>) semaphore(%arg8 : memref<!tpu.dma_semaphore, #tpu.memory_space<semaphore_mem>>)
    %dma_wait3A_194 = arith.constant 0 : i32
    %dma_wait3A_195 = arith.constant 0 : i32
    %dma_wait3A_196 = tpu.memref_slice %arg2[%dma_wait3A_194, %dma_wait3A_195] : memref<131072x128xf32, #tpu.memory_space<hbm>> -> memref<131072x128xf32, #tpu.memory_space<hbm>>
    tpu.wait_indirect_dma semaphore(%arg8 : memref<!tpu.dma_semaphore, #tpu.memory_space<semaphore_mem>>) src(%dma_wait3A_196 : memref<131072x128xf32, #tpu.memory_space<hbm>>) dst(%arg7 : memref<400x128xf32, #tpu.memory_space<vmem>>)
    %dma_start3A_197 = arith.constant 0 : i32
    %dma_start3A_198 = arith.constant 0 : i32
    %dma_start3A_199 = tpu.memref_slice %arg7[%dma_start3A_197, %dma_start3A_198] : memref<400x128xf32, #tpu.memory_space<vmem>> -> memref<400x64xf32, #tpu.memory_space<vmem>>
    %dma_start3A_200 = arith.constant 0 : i32
    %dma_start3A_201 = tpu.memref_slice %arg4[%add3A_180, %dma_start3A_200] : memref<204800x64xf32, #tpu.memory_space<hbm>> -> memref<400x64xf32, #tpu.memory_space<hbm>>
    %dma_start3A_202 = arith.constant 0 : i32
    %dma_start3A_203 = tpu.memref_slice %arg4[%add3A_180, %dma_start3A_202] : memref<204800x64xf32, #tpu.memory_space<hbm>> -> memref<400x64xf32, #tpu.memory_space<hbm>>
    %dma_start3A_204 = arith.constant 0 : i32
    %dma_start3A_205 = arith.constant 0 : i32
    %dma_start3A_206 = tpu.memref_slice %arg7[%dma_start3A_204, %dma_start3A_205] : memref<400x128xf32, #tpu.memory_space<vmem>> -> memref<400x64xf32, #tpu.memory_space<vmem>>
    tpu.enqueue_dma source(%dma_start3A_206 : memref<400x64xf32, #tpu.memory_space<vmem>>) target(%dma_start3A_203 : memref<400x64xf32, #tpu.memory_space<hbm>>) target_semaphore(%arg10 : memref<!tpu.dma_semaphore, #tpu.memory_space<semaphore_mem>>)
    %add3A_207 = arith.constant 3200 : i32
    %add3A_208 = arith.addi %mul3A_4, %add3A_207 : i32
    %dma_wait3A_209 = arith.constant 0 : i32
    %dma_wait3A_210 = arith.constant 0 : i32
    %dma_wait3A_211 = tpu.memref_slice %arg6[%dma_wait3A_209, %dma_wait3A_210] : memref<400x128xf32, #tpu.memory_space<vmem>> -> memref<400x64xf32, #tpu.memory_space<vmem>>
    %dma_wait3A_212 = arith.constant 0 : i32
    %dma_wait3A_213 = tpu.memref_slice %arg4[%add3A_152, %dma_wait3A_212] : memref<204800x64xf32, #tpu.memory_space<hbm>> -> memref<400x64xf32, #tpu.memory_space<hbm>>
    %dma_wait3A_214 = arith.constant 0 : i32
    %dma_wait3A_215 = tpu.memref_slice %arg4[%add3A_152, %dma_wait3A_214] : memref<204800x64xf32, #tpu.memory_space<hbm>> -> memref<400x64xf32, #tpu.memory_space<hbm>>
    %dma_wait3A_216 = arith.constant 0 : i32
    %dma_wait3A_217 = arith.constant 0 : i32
    %dma_wait3A_218 = tpu.memref_slice %arg6[%dma_wait3A_216, %dma_wait3A_217] : memref<400x128xf32, #tpu.memory_space<vmem>> -> memref<400x64xf32, #tpu.memory_space<vmem>>
    tpu.wait_dma2 semaphore(%arg9 : memref<!tpu.dma_semaphore, #tpu.memory_space<semaphore_mem>>) src(%dma_wait3A_218 : memref<400x64xf32, #tpu.memory_space<vmem>>) dst(%dma_wait3A_215 : memref<400x64xf32, #tpu.memory_space<hbm>>)
    "tpu.region"() ({
      %run_scoped3A = tpu.sem_alloc : memref<!tpu.dma_semaphore, #tpu.memory_space<semaphore_mem>>
      %dma_start3A_451 = tpu.memref_slice %arg3[%add3A_208] : memref<204800xi32, #tpu.memory_space<hbm>> -> memref<400xi32, #tpu.memory_space<hbm>>
      %dma_start3A_452 = tpu.memref_slice %arg3[%add3A_208] : memref<204800xi32, #tpu.memory_space<hbm>> -> memref<400xi32, #tpu.memory_space<hbm>>
      tpu.enqueue_dma source(%dma_start3A_452 : memref<400xi32, #tpu.memory_space<hbm>>) target(%arg5 : memref<400xi32, #tpu.memory_space<vmem>>) target_semaphore(%run_scoped3A : memref<!tpu.dma_semaphore, #tpu.memory_space<semaphore_mem>>)
      %dma_wait3A_453 = tpu.memref_slice %arg3[%add3A_208] : memref<204800xi32, #tpu.memory_space<hbm>> -> memref<400xi32, #tpu.memory_space<hbm>>
      %dma_wait3A_454 = tpu.memref_slice %arg3[%add3A_208] : memref<204800xi32, #tpu.memory_space<hbm>> -> memref<400xi32, #tpu.memory_space<hbm>>
      tpu.wait_dma2 semaphore(%run_scoped3A : memref<!tpu.dma_semaphore, #tpu.memory_space<semaphore_mem>>) src(%dma_wait3A_454 : memref<400xi32, #tpu.memory_space<hbm>>) dst(%arg5 : memref<400xi32, #tpu.memory_space<vmem>>)
      tpu.yield
    }) : () -> ()
    %dma_start3A_219 = arith.constant 0 : i32
    %dma_start3A_220 = arith.constant 0 : i32
    %dma_start3A_221 = tpu.memref_slice %arg2[%dma_start3A_219, %dma_start3A_220] : memref<131072x128xf32, #tpu.memory_space<hbm>> -> memref<131072x128xf32, #tpu.memory_space<hbm>>
    tpu.enqueue_indirect_dma source(%dma_start3A_221 : memref<131072x128xf32, #tpu.memory_space<hbm>>) target(%arg6 : memref<400x128xf32, #tpu.memory_space<vmem>>) offsets(%arg5 : memref<400xi32, #tpu.memory_space<vmem>>) semaphore(%arg8 : memref<!tpu.dma_semaphore, #tpu.memory_space<semaphore_mem>>)
    %dma_wait3A_222 = arith.constant 0 : i32
    %dma_wait3A_223 = arith.constant 0 : i32
    %dma_wait3A_224 = tpu.memref_slice %arg2[%dma_wait3A_222, %dma_wait3A_223] : memref<131072x128xf32, #tpu.memory_space<hbm>> -> memref<131072x128xf32, #tpu.memory_space<hbm>>
    tpu.wait_indirect_dma semaphore(%arg8 : memref<!tpu.dma_semaphore, #tpu.memory_space<semaphore_mem>>) src(%dma_wait3A_224 : memref<131072x128xf32, #tpu.memory_space<hbm>>) dst(%arg6 : memref<400x128xf32, #tpu.memory_space<vmem>>)
    %dma_start3A_225 = arith.constant 0 : i32
    %dma_start3A_226 = arith.constant 0 : i32
    %dma_start3A_227 = tpu.memref_slice %arg6[%dma_start3A_225, %dma_start3A_226] : memref<400x128xf32, #tpu.memory_space<vmem>> -> memref<400x64xf32, #tpu.memory_space<vmem>>
    %dma_start3A_228 = arith.constant 0 : i32
    %dma_start3A_229 = tpu.memref_slice %arg4[%add3A_208, %dma_start3A_228] : memref<204800x64xf32, #tpu.memory_space<hbm>> -> memref<400x64xf32, #tpu.memory_space<hbm>>
    %dma_start3A_230 = arith.constant 0 : i32
    %dma_start3A_231 = tpu.memref_slice %arg4[%add3A_208, %dma_start3A_230] : memref<204800x64xf32, #tpu.memory_space<hbm>> -> memref<400x64xf32, #tpu.memory_space<hbm>>
    %dma_start3A_232 = arith.constant 0 : i32
    %dma_start3A_233 = arith.constant 0 : i32
    %dma_start3A_234 = tpu.memref_slice %arg6[%dma_start3A_232, %dma_start3A_233] : memref<400x128xf32, #tpu.memory_space<vmem>> -> memref<400x64xf32, #tpu.memory_space<vmem>>
    tpu.enqueue_dma source(%dma_start3A_234 : memref<400x64xf32, #tpu.memory_space<vmem>>) target(%dma_start3A_231 : memref<400x64xf32, #tpu.memory_space<hbm>>) target_semaphore(%arg9 : memref<!tpu.dma_semaphore, #tpu.memory_space<semaphore_mem>>)
    %add3A_235 = arith.constant 3600 : i32
    %add3A_236 = arith.addi %mul3A_4, %add3A_235 : i32
    %dma_wait3A_237 = arith.constant 0 : i32
    %dma_wait3A_238 = arith.constant 0 : i32
    %dma_wait3A_239 = tpu.memref_slice %arg7[%dma_wait3A_237, %dma_wait3A_238] : memref<400x128xf32, #tpu.memory_space<vmem>> -> memref<400x64xf32, #tpu.memory_space<vmem>>
    %dma_wait3A_240 = arith.constant 0 : i32
    %dma_wait3A_241 = tpu.memref_slice %arg4[%add3A_180, %dma_wait3A_240] : memref<204800x64xf32, #tpu.memory_space<hbm>> -> memref<400x64xf32, #tpu.memory_space<hbm>>
    %dma_wait3A_242 = arith.constant 0 : i32
    %dma_wait3A_243 = tpu.memref_slice %arg4[%add3A_180, %dma_wait3A_242] : memref<204800x64xf32, #tpu.memory_space<hbm>> -> memref<400x64xf32, #tpu.memory_space<hbm>>
    %dma_wait3A_244 = arith.constant 0 : i32
    %dma_wait3A_245 = arith.constant 0 : i32
    %dma_wait3A_246 = tpu.memref_slice %arg7[%dma_wait3A_244, %dma_wait3A_245] : memref<400x128xf32, #tpu.memory_space<vmem>> -> memref<400x64xf32, #tpu.memory_space<vmem>>
    tpu.wait_dma2 semaphore(%arg10 : memref<!tpu.dma_semaphore, #tpu.memory_space<semaphore_mem>>) src(%dma_wait3A_246 : memref<400x64xf32, #tpu.memory_space<vmem>>) dst(%dma_wait3A_243 : memref<400x64xf32, #tpu.memory_space<hbm>>)
    "tpu.region"() ({
      %run_scoped3A = tpu.sem_alloc : memref<!tpu.dma_semaphore, #tpu.memory_space<semaphore_mem>>
      %dma_start3A_451 = tpu.memref_slice %arg3[%add3A_236] : memref<204800xi32, #tpu.memory_space<hbm>> -> memref<400xi32, #tpu.memory_space<hbm>>
      %dma_start3A_452 = tpu.memref_slice %arg3[%add3A_236] : memref<204800xi32, #tpu.memory_space<hbm>> -> memref<400xi32, #tpu.memory_space<hbm>>
      tpu.enqueue_dma source(%dma_start3A_452 : memref<400xi32, #tpu.memory_space<hbm>>) target(%arg5 : memref<400xi32, #tpu.memory_space<vmem>>) target_semaphore(%run_scoped3A : memref<!tpu.dma_semaphore, #tpu.memory_space<semaphore_mem>>)
      %dma_wait3A_453 = tpu.memref_slice %arg3[%add3A_236] : memref<204800xi32, #tpu.memory_space<hbm>> -> memref<400xi32, #tpu.memory_space<hbm>>
      %dma_wait3A_454 = tpu.memref_slice %arg3[%add3A_236] : memref<204800xi32, #tpu.memory_space<hbm>> -> memref<400xi32, #tpu.memory_space<hbm>>
      tpu.wait_dma2 semaphore(%run_scoped3A : memref<!tpu.dma_semaphore, #tpu.memory_space<semaphore_mem>>) src(%dma_wait3A_454 : memref<400xi32, #tpu.memory_space<hbm>>) dst(%arg5 : memref<400xi32, #tpu.memory_space<vmem>>)
      tpu.yield
    }) : () -> ()
    %dma_start3A_247 = arith.constant 0 : i32
    %dma_start3A_248 = arith.constant 0 : i32
    %dma_start3A_249 = tpu.memref_slice %arg2[%dma_start3A_247, %dma_start3A_248] : memref<131072x128xf32, #tpu.memory_space<hbm>> -> memref<131072x128xf32, #tpu.memory_space<hbm>>
    tpu.enqueue_indirect_dma source(%dma_start3A_249 : memref<131072x128xf32, #tpu.memory_space<hbm>>) target(%arg7 : memref<400x128xf32, #tpu.memory_space<vmem>>) offsets(%arg5 : memref<400xi32, #tpu.memory_space<vmem>>) semaphore(%arg8 : memref<!tpu.dma_semaphore, #tpu.memory_space<semaphore_mem>>)
    %dma_wait3A_250 = arith.constant 0 : i32
    %dma_wait3A_251 = arith.constant 0 : i32
    %dma_wait3A_252 = tpu.memref_slice %arg2[%dma_wait3A_250, %dma_wait3A_251] : memref<131072x128xf32, #tpu.memory_space<hbm>> -> memref<131072x128xf32, #tpu.memory_space<hbm>>
    tpu.wait_indirect_dma semaphore(%arg8 : memref<!tpu.dma_semaphore, #tpu.memory_space<semaphore_mem>>) src(%dma_wait3A_252 : memref<131072x128xf32, #tpu.memory_space<hbm>>) dst(%arg7 : memref<400x128xf32, #tpu.memory_space<vmem>>)
    %dma_start3A_253 = arith.constant 0 : i32
    %dma_start3A_254 = arith.constant 0 : i32
    %dma_start3A_255 = tpu.memref_slice %arg7[%dma_start3A_253, %dma_start3A_254] : memref<400x128xf32, #tpu.memory_space<vmem>> -> memref<400x64xf32, #tpu.memory_space<vmem>>
    %dma_start3A_256 = arith.constant 0 : i32
    %dma_start3A_257 = tpu.memref_slice %arg4[%add3A_236, %dma_start3A_256] : memref<204800x64xf32, #tpu.memory_space<hbm>> -> memref<400x64xf32, #tpu.memory_space<hbm>>
    %dma_start3A_258 = arith.constant 0 : i32
    %dma_start3A_259 = tpu.memref_slice %arg4[%add3A_236, %dma_start3A_258] : memref<204800x64xf32, #tpu.memory_space<hbm>> -> memref<400x64xf32, #tpu.memory_space<hbm>>
    %dma_start3A_260 = arith.constant 0 : i32
    %dma_start3A_261 = arith.constant 0 : i32
    %dma_start3A_262 = tpu.memref_slice %arg7[%dma_start3A_260, %dma_start3A_261] : memref<400x128xf32, #tpu.memory_space<vmem>> -> memref<400x64xf32, #tpu.memory_space<vmem>>
    tpu.enqueue_dma source(%dma_start3A_262 : memref<400x64xf32, #tpu.memory_space<vmem>>) target(%dma_start3A_259 : memref<400x64xf32, #tpu.memory_space<hbm>>) target_semaphore(%arg10 : memref<!tpu.dma_semaphore, #tpu.memory_space<semaphore_mem>>)
    %add3A_263 = arith.constant 4000 : i32
    %add3A_264 = arith.addi %mul3A_4, %add3A_263 : i32
    %dma_wait3A_265 = arith.constant 0 : i32
    %dma_wait3A_266 = arith.constant 0 : i32
    %dma_wait3A_267 = tpu.memref_slice %arg6[%dma_wait3A_265, %dma_wait3A_266] : memref<400x128xf32, #tpu.memory_space<vmem>> -> memref<400x64xf32, #tpu.memory_space<vmem>>
    %dma_wait3A_268 = arith.constant 0 : i32
    %dma_wait3A_269 = tpu.memref_slice %arg4[%add3A_208, %dma_wait3A_268] : memref<204800x64xf32, #tpu.memory_space<hbm>> -> memref<400x64xf32, #tpu.memory_space<hbm>>
    %dma_wait3A_270 = arith.constant 0 : i32
    %dma_wait3A_271 = tpu.memref_slice %arg4[%add3A_208, %dma_wait3A_270] : memref<204800x64xf32, #tpu.memory_space<hbm>> -> memref<400x64xf32, #tpu.memory_space<hbm>>
    %dma_wait3A_272 = arith.constant 0 : i32
    %dma_wait3A_273 = arith.constant 0 : i32
    %dma_wait3A_274 = tpu.memref_slice %arg6[%dma_wait3A_272, %dma_wait3A_273] : memref<400x128xf32, #tpu.memory_space<vmem>> -> memref<400x64xf32, #tpu.memory_space<vmem>>
    tpu.wait_dma2 semaphore(%arg9 : memref<!tpu.dma_semaphore, #tpu.memory_space<semaphore_mem>>) src(%dma_wait3A_274 : memref<400x64xf32, #tpu.memory_space<vmem>>) dst(%dma_wait3A_271 : memref<400x64xf32, #tpu.memory_space<hbm>>)
    "tpu.region"() ({
      %run_scoped3A = tpu.sem_alloc : memref<!tpu.dma_semaphore, #tpu.memory_space<semaphore_mem>>
      %dma_start3A_451 = tpu.memref_slice %arg3[%add3A_264] : memref<204800xi32, #tpu.memory_space<hbm>> -> memref<400xi32, #tpu.memory_space<hbm>>
      %dma_start3A_452 = tpu.memref_slice %arg3[%add3A_264] : memref<204800xi32, #tpu.memory_space<hbm>> -> memref<400xi32, #tpu.memory_space<hbm>>
      tpu.enqueue_dma source(%dma_start3A_452 : memref<400xi32, #tpu.memory_space<hbm>>) target(%arg5 : memref<400xi32, #tpu.memory_space<vmem>>) target_semaphore(%run_scoped3A : memref<!tpu.dma_semaphore, #tpu.memory_space<semaphore_mem>>)
      %dma_wait3A_453 = tpu.memref_slice %arg3[%add3A_264] : memref<204800xi32, #tpu.memory_space<hbm>> -> memref<400xi32, #tpu.memory_space<hbm>>
      %dma_wait3A_454 = tpu.memref_slice %arg3[%add3A_264] : memref<204800xi32, #tpu.memory_space<hbm>> -> memref<400xi32, #tpu.memory_space<hbm>>
      tpu.wait_dma2 semaphore(%run_scoped3A : memref<!tpu.dma_semaphore, #tpu.memory_space<semaphore_mem>>) src(%dma_wait3A_454 : memref<400xi32, #tpu.memory_space<hbm>>) dst(%arg5 : memref<400xi32, #tpu.memory_space<vmem>>)
      tpu.yield
    }) : () -> ()
    %dma_start3A_275 = arith.constant 0 : i32
    %dma_start3A_276 = arith.constant 0 : i32
    %dma_start3A_277 = tpu.memref_slice %arg2[%dma_start3A_275, %dma_start3A_276] : memref<131072x128xf32, #tpu.memory_space<hbm>> -> memref<131072x128xf32, #tpu.memory_space<hbm>>
    tpu.enqueue_indirect_dma source(%dma_start3A_277 : memref<131072x128xf32, #tpu.memory_space<hbm>>) target(%arg6 : memref<400x128xf32, #tpu.memory_space<vmem>>) offsets(%arg5 : memref<400xi32, #tpu.memory_space<vmem>>) semaphore(%arg8 : memref<!tpu.dma_semaphore, #tpu.memory_space<semaphore_mem>>)
    %dma_wait3A_278 = arith.constant 0 : i32
    %dma_wait3A_279 = arith.constant 0 : i32
    %dma_wait3A_280 = tpu.memref_slice %arg2[%dma_wait3A_278, %dma_wait3A_279] : memref<131072x128xf32, #tpu.memory_space<hbm>> -> memref<131072x128xf32, #tpu.memory_space<hbm>>
    tpu.wait_indirect_dma semaphore(%arg8 : memref<!tpu.dma_semaphore, #tpu.memory_space<semaphore_mem>>) src(%dma_wait3A_280 : memref<131072x128xf32, #tpu.memory_space<hbm>>) dst(%arg6 : memref<400x128xf32, #tpu.memory_space<vmem>>)
    %dma_start3A_281 = arith.constant 0 : i32
    %dma_start3A_282 = arith.constant 0 : i32
    %dma_start3A_283 = tpu.memref_slice %arg6[%dma_start3A_281, %dma_start3A_282] : memref<400x128xf32, #tpu.memory_space<vmem>> -> memref<400x64xf32, #tpu.memory_space<vmem>>
    %dma_start3A_284 = arith.constant 0 : i32
    %dma_start3A_285 = tpu.memref_slice %arg4[%add3A_264, %dma_start3A_284] : memref<204800x64xf32, #tpu.memory_space<hbm>> -> memref<400x64xf32, #tpu.memory_space<hbm>>
    %dma_start3A_286 = arith.constant 0 : i32
    %dma_start3A_287 = tpu.memref_slice %arg4[%add3A_264, %dma_start3A_286] : memref<204800x64xf32, #tpu.memory_space<hbm>> -> memref<400x64xf32, #tpu.memory_space<hbm>>
    %dma_start3A_288 = arith.constant 0 : i32
    %dma_start3A_289 = arith.constant 0 : i32
    %dma_start3A_290 = tpu.memref_slice %arg6[%dma_start3A_288, %dma_start3A_289] : memref<400x128xf32, #tpu.memory_space<vmem>> -> memref<400x64xf32, #tpu.memory_space<vmem>>
    tpu.enqueue_dma source(%dma_start3A_290 : memref<400x64xf32, #tpu.memory_space<vmem>>) target(%dma_start3A_287 : memref<400x64xf32, #tpu.memory_space<hbm>>) target_semaphore(%arg9 : memref<!tpu.dma_semaphore, #tpu.memory_space<semaphore_mem>>)
    %add3A_291 = arith.constant 4400 : i32
    %add3A_292 = arith.addi %mul3A_4, %add3A_291 : i32
    %dma_wait3A_293 = arith.constant 0 : i32
    %dma_wait3A_294 = arith.constant 0 : i32
    %dma_wait3A_295 = tpu.memref_slice %arg7[%dma_wait3A_293, %dma_wait3A_294] : memref<400x128xf32, #tpu.memory_space<vmem>> -> memref<400x64xf32, #tpu.memory_space<vmem>>
    %dma_wait3A_296 = arith.constant 0 : i32
    %dma_wait3A_297 = tpu.memref_slice %arg4[%add3A_236, %dma_wait3A_296] : memref<204800x64xf32, #tpu.memory_space<hbm>> -> memref<400x64xf32, #tpu.memory_space<hbm>>
    %dma_wait3A_298 = arith.constant 0 : i32
    %dma_wait3A_299 = tpu.memref_slice %arg4[%add3A_236, %dma_wait3A_298] : memref<204800x64xf32, #tpu.memory_space<hbm>> -> memref<400x64xf32, #tpu.memory_space<hbm>>
    %dma_wait3A_300 = arith.constant 0 : i32
    %dma_wait3A_301 = arith.constant 0 : i32
    %dma_wait3A_302 = tpu.memref_slice %arg7[%dma_wait3A_300, %dma_wait3A_301] : memref<400x128xf32, #tpu.memory_space<vmem>> -> memref<400x64xf32, #tpu.memory_space<vmem>>
    tpu.wait_dma2 semaphore(%arg10 : memref<!tpu.dma_semaphore, #tpu.memory_space<semaphore_mem>>) src(%dma_wait3A_302 : memref<400x64xf32, #tpu.memory_space<vmem>>) dst(%dma_wait3A_299 : memref<400x64xf32, #tpu.memory_space<hbm>>)
    "tpu.region"() ({
      %run_scoped3A = tpu.sem_alloc : memref<!tpu.dma_semaphore, #tpu.memory_space<semaphore_mem>>
      %dma_start3A_451 = tpu.memref_slice %arg3[%add3A_292] : memref<204800xi32, #tpu.memory_space<hbm>> -> memref<400xi32, #tpu.memory_space<hbm>>
      %dma_start3A_452 = tpu.memref_slice %arg3[%add3A_292] : memref<204800xi32, #tpu.memory_space<hbm>> -> memref<400xi32, #tpu.memory_space<hbm>>
      tpu.enqueue_dma source(%dma_start3A_452 : memref<400xi32, #tpu.memory_space<hbm>>) target(%arg5 : memref<400xi32, #tpu.memory_space<vmem>>) target_semaphore(%run_scoped3A : memref<!tpu.dma_semaphore, #tpu.memory_space<semaphore_mem>>)
      %dma_wait3A_453 = tpu.memref_slice %arg3[%add3A_292] : memref<204800xi32, #tpu.memory_space<hbm>> -> memref<400xi32, #tpu.memory_space<hbm>>
      %dma_wait3A_454 = tpu.memref_slice %arg3[%add3A_292] : memref<204800xi32, #tpu.memory_space<hbm>> -> memref<400xi32, #tpu.memory_space<hbm>>
      tpu.wait_dma2 semaphore(%run_scoped3A : memref<!tpu.dma_semaphore, #tpu.memory_space<semaphore_mem>>) src(%dma_wait3A_454 : memref<400xi32, #tpu.memory_space<hbm>>) dst(%arg5 : memref<400xi32, #tpu.memory_space<vmem>>)
      tpu.yield
    }) : () -> ()
    %dma_start3A_303 = arith.constant 0 : i32
    %dma_start3A_304 = arith.constant 0 : i32
    %dma_start3A_305 = tpu.memref_slice %arg2[%dma_start3A_303, %dma_start3A_304] : memref<131072x128xf32, #tpu.memory_space<hbm>> -> memref<131072x128xf32, #tpu.memory_space<hbm>>
    tpu.enqueue_indirect_dma source(%dma_start3A_305 : memref<131072x128xf32, #tpu.memory_space<hbm>>) target(%arg7 : memref<400x128xf32, #tpu.memory_space<vmem>>) offsets(%arg5 : memref<400xi32, #tpu.memory_space<vmem>>) semaphore(%arg8 : memref<!tpu.dma_semaphore, #tpu.memory_space<semaphore_mem>>)
    %dma_wait3A_306 = arith.constant 0 : i32
    %dma_wait3A_307 = arith.constant 0 : i32
    %dma_wait3A_308 = tpu.memref_slice %arg2[%dma_wait3A_306, %dma_wait3A_307] : memref<131072x128xf32, #tpu.memory_space<hbm>> -> memref<131072x128xf32, #tpu.memory_space<hbm>>
    tpu.wait_indirect_dma semaphore(%arg8 : memref<!tpu.dma_semaphore, #tpu.memory_space<semaphore_mem>>) src(%dma_wait3A_308 : memref<131072x128xf32, #tpu.memory_space<hbm>>) dst(%arg7 : memref<400x128xf32, #tpu.memory_space<vmem>>)
    %dma_start3A_309 = arith.constant 0 : i32
    %dma_start3A_310 = arith.constant 0 : i32
    %dma_start3A_311 = tpu.memref_slice %arg7[%dma_start3A_309, %dma_start3A_310] : memref<400x128xf32, #tpu.memory_space<vmem>> -> memref<400x64xf32, #tpu.memory_space<vmem>>
    %dma_start3A_312 = arith.constant 0 : i32
    %dma_start3A_313 = tpu.memref_slice %arg4[%add3A_292, %dma_start3A_312] : memref<204800x64xf32, #tpu.memory_space<hbm>> -> memref<400x64xf32, #tpu.memory_space<hbm>>
    %dma_start3A_314 = arith.constant 0 : i32
    %dma_start3A_315 = tpu.memref_slice %arg4[%add3A_292, %dma_start3A_314] : memref<204800x64xf32, #tpu.memory_space<hbm>> -> memref<400x64xf32, #tpu.memory_space<hbm>>
    %dma_start3A_316 = arith.constant 0 : i32
    %dma_start3A_317 = arith.constant 0 : i32
    %dma_start3A_318 = tpu.memref_slice %arg7[%dma_start3A_316, %dma_start3A_317] : memref<400x128xf32, #tpu.memory_space<vmem>> -> memref<400x64xf32, #tpu.memory_space<vmem>>
    tpu.enqueue_dma source(%dma_start3A_318 : memref<400x64xf32, #tpu.memory_space<vmem>>) target(%dma_start3A_315 : memref<400x64xf32, #tpu.memory_space<hbm>>) target_semaphore(%arg10 : memref<!tpu.dma_semaphore, #tpu.memory_space<semaphore_mem>>)
    %add3A_319 = arith.constant 4800 : i32
    %add3A_320 = arith.addi %mul3A_4, %add3A_319 : i32
    %dma_wait3A_321 = arith.constant 0 : i32
    %dma_wait3A_322 = arith.constant 0 : i32
    %dma_wait3A_323 = tpu.memref_slice %arg6[%dma_wait3A_321, %dma_wait3A_322] : memref<400x128xf32, #tpu.memory_space<vmem>> -> memref<400x64xf32, #tpu.memory_space<vmem>>
    %dma_wait3A_324 = arith.constant 0 : i32
    %dma_wait3A_325 = tpu.memref_slice %arg4[%add3A_264, %dma_wait3A_324] : memref<204800x64xf32, #tpu.memory_space<hbm>> -> memref<400x64xf32, #tpu.memory_space<hbm>>
    %dma_wait3A_326 = arith.constant 0 : i32
    %dma_wait3A_327 = tpu.memref_slice %arg4[%add3A_264, %dma_wait3A_326] : memref<204800x64xf32, #tpu.memory_space<hbm>> -> memref<400x64xf32, #tpu.memory_space<hbm>>
    %dma_wait3A_328 = arith.constant 0 : i32
    %dma_wait3A_329 = arith.constant 0 : i32
    %dma_wait3A_330 = tpu.memref_slice %arg6[%dma_wait3A_328, %dma_wait3A_329] : memref<400x128xf32, #tpu.memory_space<vmem>> -> memref<400x64xf32, #tpu.memory_space<vmem>>
    tpu.wait_dma2 semaphore(%arg9 : memref<!tpu.dma_semaphore, #tpu.memory_space<semaphore_mem>>) src(%dma_wait3A_330 : memref<400x64xf32, #tpu.memory_space<vmem>>) dst(%dma_wait3A_327 : memref<400x64xf32, #tpu.memory_space<hbm>>)
    "tpu.region"() ({
      %run_scoped3A = tpu.sem_alloc : memref<!tpu.dma_semaphore, #tpu.memory_space<semaphore_mem>>
      %dma_start3A_451 = tpu.memref_slice %arg3[%add3A_320] : memref<204800xi32, #tpu.memory_space<hbm>> -> memref<400xi32, #tpu.memory_space<hbm>>
      %dma_start3A_452 = tpu.memref_slice %arg3[%add3A_320] : memref<204800xi32, #tpu.memory_space<hbm>> -> memref<400xi32, #tpu.memory_space<hbm>>
      tpu.enqueue_dma source(%dma_start3A_452 : memref<400xi32, #tpu.memory_space<hbm>>) target(%arg5 : memref<400xi32, #tpu.memory_space<vmem>>) target_semaphore(%run_scoped3A : memref<!tpu.dma_semaphore, #tpu.memory_space<semaphore_mem>>)
      %dma_wait3A_453 = tpu.memref_slice %arg3[%add3A_320] : memref<204800xi32, #tpu.memory_space<hbm>> -> memref<400xi32, #tpu.memory_space<hbm>>
      %dma_wait3A_454 = tpu.memref_slice %arg3[%add3A_320] : memref<204800xi32, #tpu.memory_space<hbm>> -> memref<400xi32, #tpu.memory_space<hbm>>
      tpu.wait_dma2 semaphore(%run_scoped3A : memref<!tpu.dma_semaphore, #tpu.memory_space<semaphore_mem>>) src(%dma_wait3A_454 : memref<400xi32, #tpu.memory_space<hbm>>) dst(%arg5 : memref<400xi32, #tpu.memory_space<vmem>>)
      tpu.yield
    }) : () -> ()
    %dma_start3A_331 = arith.constant 0 : i32
    %dma_start3A_332 = arith.constant 0 : i32
    %dma_start3A_333 = tpu.memref_slice %arg2[%dma_start3A_331, %dma_start3A_332] : memref<131072x128xf32, #tpu.memory_space<hbm>> -> memref<131072x128xf32, #tpu.memory_space<hbm>>
    tpu.enqueue_indirect_dma source(%dma_start3A_333 : memref<131072x128xf32, #tpu.memory_space<hbm>>) target(%arg6 : memref<400x128xf32, #tpu.memory_space<vmem>>) offsets(%arg5 : memref<400xi32, #tpu.memory_space<vmem>>) semaphore(%arg8 : memref<!tpu.dma_semaphore, #tpu.memory_space<semaphore_mem>>)
    %dma_wait3A_334 = arith.constant 0 : i32
    %dma_wait3A_335 = arith.constant 0 : i32
    %dma_wait3A_336 = tpu.memref_slice %arg2[%dma_wait3A_334, %dma_wait3A_335] : memref<131072x128xf32, #tpu.memory_space<hbm>> -> memref<131072x128xf32, #tpu.memory_space<hbm>>
    tpu.wait_indirect_dma semaphore(%arg8 : memref<!tpu.dma_semaphore, #tpu.memory_space<semaphore_mem>>) src(%dma_wait3A_336 : memref<131072x128xf32, #tpu.memory_space<hbm>>) dst(%arg6 : memref<400x128xf32, #tpu.memory_space<vmem>>)
    %dma_start3A_337 = arith.constant 0 : i32
    %dma_start3A_338 = arith.constant 0 : i32
    %dma_start3A_339 = tpu.memref_slice %arg6[%dma_start3A_337, %dma_start3A_338] : memref<400x128xf32, #tpu.memory_space<vmem>> -> memref<400x64xf32, #tpu.memory_space<vmem>>
    %dma_start3A_340 = arith.constant 0 : i32
    %dma_start3A_341 = tpu.memref_slice %arg4[%add3A_320, %dma_start3A_340] : memref<204800x64xf32, #tpu.memory_space<hbm>> -> memref<400x64xf32, #tpu.memory_space<hbm>>
    %dma_start3A_342 = arith.constant 0 : i32
    %dma_start3A_343 = tpu.memref_slice %arg4[%add3A_320, %dma_start3A_342] : memref<204800x64xf32, #tpu.memory_space<hbm>> -> memref<400x64xf32, #tpu.memory_space<hbm>>
    %dma_start3A_344 = arith.constant 0 : i32
    %dma_start3A_345 = arith.constant 0 : i32
    %dma_start3A_346 = tpu.memref_slice %arg6[%dma_start3A_344, %dma_start3A_345] : memref<400x128xf32, #tpu.memory_space<vmem>> -> memref<400x64xf32, #tpu.memory_space<vmem>>
    tpu.enqueue_dma source(%dma_start3A_346 : memref<400x64xf32, #tpu.memory_space<vmem>>) target(%dma_start3A_343 : memref<400x64xf32, #tpu.memory_space<hbm>>) target_semaphore(%arg9 : memref<!tpu.dma_semaphore, #tpu.memory_space<semaphore_mem>>)
    %add3A_347 = arith.constant 5200 : i32
    %add3A_348 = arith.addi %mul3A_4, %add3A_347 : i32
    %dma_wait3A_349 = arith.constant 0 : i32
    %dma_wait3A_350 = arith.constant 0 : i32
    %dma_wait3A_351 = tpu.memref_slice %arg7[%dma_wait3A_349, %dma_wait3A_350] : memref<400x128xf32, #tpu.memory_space<vmem>> -> memref<400x64xf32, #tpu.memory_space<vmem>>
    %dma_wait3A_352 = arith.constant 0 : i32
    %dma_wait3A_353 = tpu.memref_slice %arg4[%add3A_292, %dma_wait3A_352] : memref<204800x64xf32, #tpu.memory_space<hbm>> -> memref<400x64xf32, #tpu.memory_space<hbm>>
    %dma_wait3A_354 = arith.constant 0 : i32
    %dma_wait3A_355 = tpu.memref_slice %arg4[%add3A_292, %dma_wait3A_354] : memref<204800x64xf32, #tpu.memory_space<hbm>> -> memref<400x64xf32, #tpu.memory_space<hbm>>
    %dma_wait3A_356 = arith.constant 0 : i32
    %dma_wait3A_357 = arith.constant 0 : i32
    %dma_wait3A_358 = tpu.memref_slice %arg7[%dma_wait3A_356, %dma_wait3A_357] : memref<400x128xf32, #tpu.memory_space<vmem>> -> memref<400x64xf32, #tpu.memory_space<vmem>>
    tpu.wait_dma2 semaphore(%arg10 : memref<!tpu.dma_semaphore, #tpu.memory_space<semaphore_mem>>) src(%dma_wait3A_358 : memref<400x64xf32, #tpu.memory_space<vmem>>) dst(%dma_wait3A_355 : memref<400x64xf32, #tpu.memory_space<hbm>>)
    "tpu.region"() ({
      %run_scoped3A = tpu.sem_alloc : memref<!tpu.dma_semaphore, #tpu.memory_space<semaphore_mem>>
      %dma_start3A_451 = tpu.memref_slice %arg3[%add3A_348] : memref<204800xi32, #tpu.memory_space<hbm>> -> memref<400xi32, #tpu.memory_space<hbm>>
      %dma_start3A_452 = tpu.memref_slice %arg3[%add3A_348] : memref<204800xi32, #tpu.memory_space<hbm>> -> memref<400xi32, #tpu.memory_space<hbm>>
      tpu.enqueue_dma source(%dma_start3A_452 : memref<400xi32, #tpu.memory_space<hbm>>) target(%arg5 : memref<400xi32, #tpu.memory_space<vmem>>) target_semaphore(%run_scoped3A : memref<!tpu.dma_semaphore, #tpu.memory_space<semaphore_mem>>)
      %dma_wait3A_453 = tpu.memref_slice %arg3[%add3A_348] : memref<204800xi32, #tpu.memory_space<hbm>> -> memref<400xi32, #tpu.memory_space<hbm>>
      %dma_wait3A_454 = tpu.memref_slice %arg3[%add3A_348] : memref<204800xi32, #tpu.memory_space<hbm>> -> memref<400xi32, #tpu.memory_space<hbm>>
      tpu.wait_dma2 semaphore(%run_scoped3A : memref<!tpu.dma_semaphore, #tpu.memory_space<semaphore_mem>>) src(%dma_wait3A_454 : memref<400xi32, #tpu.memory_space<hbm>>) dst(%arg5 : memref<400xi32, #tpu.memory_space<vmem>>)
      tpu.yield
    }) : () -> ()
    %dma_start3A_359 = arith.constant 0 : i32
    %dma_start3A_360 = arith.constant 0 : i32
    %dma_start3A_361 = tpu.memref_slice %arg2[%dma_start3A_359, %dma_start3A_360] : memref<131072x128xf32, #tpu.memory_space<hbm>> -> memref<131072x128xf32, #tpu.memory_space<hbm>>
    tpu.enqueue_indirect_dma source(%dma_start3A_361 : memref<131072x128xf32, #tpu.memory_space<hbm>>) target(%arg7 : memref<400x128xf32, #tpu.memory_space<vmem>>) offsets(%arg5 : memref<400xi32, #tpu.memory_space<vmem>>) semaphore(%arg8 : memref<!tpu.dma_semaphore, #tpu.memory_space<semaphore_mem>>)
    %dma_wait3A_362 = arith.constant 0 : i32
    %dma_wait3A_363 = arith.constant 0 : i32
    %dma_wait3A_364 = tpu.memref_slice %arg2[%dma_wait3A_362, %dma_wait3A_363] : memref<131072x128xf32, #tpu.memory_space<hbm>> -> memref<131072x128xf32, #tpu.memory_space<hbm>>
    tpu.wait_indirect_dma semaphore(%arg8 : memref<!tpu.dma_semaphore, #tpu.memory_space<semaphore_mem>>) src(%dma_wait3A_364 : memref<131072x128xf32, #tpu.memory_space<hbm>>) dst(%arg7 : memref<400x128xf32, #tpu.memory_space<vmem>>)
    %dma_start3A_365 = arith.constant 0 : i32
    %dma_start3A_366 = arith.constant 0 : i32
    %dma_start3A_367 = tpu.memref_slice %arg7[%dma_start3A_365, %dma_start3A_366] : memref<400x128xf32, #tpu.memory_space<vmem>> -> memref<400x64xf32, #tpu.memory_space<vmem>>
    %dma_start3A_368 = arith.constant 0 : i32
    %dma_start3A_369 = tpu.memref_slice %arg4[%add3A_348, %dma_start3A_368] : memref<204800x64xf32, #tpu.memory_space<hbm>> -> memref<400x64xf32, #tpu.memory_space<hbm>>
    %dma_start3A_370 = arith.constant 0 : i32
    %dma_start3A_371 = tpu.memref_slice %arg4[%add3A_348, %dma_start3A_370] : memref<204800x64xf32, #tpu.memory_space<hbm>> -> memref<400x64xf32, #tpu.memory_space<hbm>>
    %dma_start3A_372 = arith.constant 0 : i32
    %dma_start3A_373 = arith.constant 0 : i32
    %dma_start3A_374 = tpu.memref_slice %arg7[%dma_start3A_372, %dma_start3A_373] : memref<400x128xf32, #tpu.memory_space<vmem>> -> memref<400x64xf32, #tpu.memory_space<vmem>>
    tpu.enqueue_dma source(%dma_start3A_374 : memref<400x64xf32, #tpu.memory_space<vmem>>) target(%dma_start3A_371 : memref<400x64xf32, #tpu.memory_space<hbm>>) target_semaphore(%arg10 : memref<!tpu.dma_semaphore, #tpu.memory_space<semaphore_mem>>)
    %add3A_375 = arith.constant 5600 : i32
    %add3A_376 = arith.addi %mul3A_4, %add3A_375 : i32
    %dma_wait3A_377 = arith.constant 0 : i32
    %dma_wait3A_378 = arith.constant 0 : i32
    %dma_wait3A_379 = tpu.memref_slice %arg6[%dma_wait3A_377, %dma_wait3A_378] : memref<400x128xf32, #tpu.memory_space<vmem>> -> memref<400x64xf32, #tpu.memory_space<vmem>>
    %dma_wait3A_380 = arith.constant 0 : i32
    %dma_wait3A_381 = tpu.memref_slice %arg4[%add3A_320, %dma_wait3A_380] : memref<204800x64xf32, #tpu.memory_space<hbm>> -> memref<400x64xf32, #tpu.memory_space<hbm>>
    %dma_wait3A_382 = arith.constant 0 : i32
    %dma_wait3A_383 = tpu.memref_slice %arg4[%add3A_320, %dma_wait3A_382] : memref<204800x64xf32, #tpu.memory_space<hbm>> -> memref<400x64xf32, #tpu.memory_space<hbm>>
    %dma_wait3A_384 = arith.constant 0 : i32
    %dma_wait3A_385 = arith.constant 0 : i32
    %dma_wait3A_386 = tpu.memref_slice %arg6[%dma_wait3A_384, %dma_wait3A_385] : memref<400x128xf32, #tpu.memory_space<vmem>> -> memref<400x64xf32, #tpu.memory_space<vmem>>
    tpu.wait_dma2 semaphore(%arg9 : memref<!tpu.dma_semaphore, #tpu.memory_space<semaphore_mem>>) src(%dma_wait3A_386 : memref<400x64xf32, #tpu.memory_space<vmem>>) dst(%dma_wait3A_383 : memref<400x64xf32, #tpu.memory_space<hbm>>)
    "tpu.region"() ({
      %run_scoped3A = tpu.sem_alloc : memref<!tpu.dma_semaphore, #tpu.memory_space<semaphore_mem>>
      %dma_start3A_451 = tpu.memref_slice %arg3[%add3A_376] : memref<204800xi32, #tpu.memory_space<hbm>> -> memref<400xi32, #tpu.memory_space<hbm>>
      %dma_start3A_452 = tpu.memref_slice %arg3[%add3A_376] : memref<204800xi32, #tpu.memory_space<hbm>> -> memref<400xi32, #tpu.memory_space<hbm>>
      tpu.enqueue_dma source(%dma_start3A_452 : memref<400xi32, #tpu.memory_space<hbm>>) target(%arg5 : memref<400xi32, #tpu.memory_space<vmem>>) target_semaphore(%run_scoped3A : memref<!tpu.dma_semaphore, #tpu.memory_space<semaphore_mem>>)
      %dma_wait3A_453 = tpu.memref_slice %arg3[%add3A_376] : memref<204800xi32, #tpu.memory_space<hbm>> -> memref<400xi32, #tpu.memory_space<hbm>>
      %dma_wait3A_454 = tpu.memref_slice %arg3[%add3A_376] : memref<204800xi32, #tpu.memory_space<hbm>> -> memref<400xi32, #tpu.memory_space<hbm>>
      tpu.wait_dma2 semaphore(%run_scoped3A : memref<!tpu.dma_semaphore, #tpu.memory_space<semaphore_mem>>) src(%dma_wait3A_454 : memref<400xi32, #tpu.memory_space<hbm>>) dst(%arg5 : memref<400xi32, #tpu.memory_space<vmem>>)
      tpu.yield
    }) : () -> ()
    %dma_start3A_387 = arith.constant 0 : i32
    %dma_start3A_388 = arith.constant 0 : i32
    %dma_start3A_389 = tpu.memref_slice %arg2[%dma_start3A_387, %dma_start3A_388] : memref<131072x128xf32, #tpu.memory_space<hbm>> -> memref<131072x128xf32, #tpu.memory_space<hbm>>
    tpu.enqueue_indirect_dma source(%dma_start3A_389 : memref<131072x128xf32, #tpu.memory_space<hbm>>) target(%arg6 : memref<400x128xf32, #tpu.memory_space<vmem>>) offsets(%arg5 : memref<400xi32, #tpu.memory_space<vmem>>) semaphore(%arg8 : memref<!tpu.dma_semaphore, #tpu.memory_space<semaphore_mem>>)
    %dma_wait3A_390 = arith.constant 0 : i32
    %dma_wait3A_391 = arith.constant 0 : i32
    %dma_wait3A_392 = tpu.memref_slice %arg2[%dma_wait3A_390, %dma_wait3A_391] : memref<131072x128xf32, #tpu.memory_space<hbm>> -> memref<131072x128xf32, #tpu.memory_space<hbm>>
    tpu.wait_indirect_dma semaphore(%arg8 : memref<!tpu.dma_semaphore, #tpu.memory_space<semaphore_mem>>) src(%dma_wait3A_392 : memref<131072x128xf32, #tpu.memory_space<hbm>>) dst(%arg6 : memref<400x128xf32, #tpu.memory_space<vmem>>)
    %dma_start3A_393 = arith.constant 0 : i32
    %dma_start3A_394 = arith.constant 0 : i32
    %dma_start3A_395 = tpu.memref_slice %arg6[%dma_start3A_393, %dma_start3A_394] : memref<400x128xf32, #tpu.memory_space<vmem>> -> memref<400x64xf32, #tpu.memory_space<vmem>>
    %dma_start3A_396 = arith.constant 0 : i32
    %dma_start3A_397 = tpu.memref_slice %arg4[%add3A_376, %dma_start3A_396] : memref<204800x64xf32, #tpu.memory_space<hbm>> -> memref<400x64xf32, #tpu.memory_space<hbm>>
    %dma_start3A_398 = arith.constant 0 : i32
    %dma_start3A_399 = tpu.memref_slice %arg4[%add3A_376, %dma_start3A_398] : memref<204800x64xf32, #tpu.memory_space<hbm>> -> memref<400x64xf32, #tpu.memory_space<hbm>>
    %dma_start3A_400 = arith.constant 0 : i32
    %dma_start3A_401 = arith.constant 0 : i32
    %dma_start3A_402 = tpu.memref_slice %arg6[%dma_start3A_400, %dma_start3A_401] : memref<400x128xf32, #tpu.memory_space<vmem>> -> memref<400x64xf32, #tpu.memory_space<vmem>>
    tpu.enqueue_dma source(%dma_start3A_402 : memref<400x64xf32, #tpu.memory_space<vmem>>) target(%dma_start3A_399 : memref<400x64xf32, #tpu.memory_space<hbm>>) target_semaphore(%arg9 : memref<!tpu.dma_semaphore, #tpu.memory_space<semaphore_mem>>)
    %add3A_403 = arith.constant 6000 : i32
    %add3A_404 = arith.addi %mul3A_4, %add3A_403 : i32
    %dma_wait3A_405 = arith.constant 0 : i32
    %dma_wait3A_406 = arith.constant 0 : i32
    %dma_wait3A_407 = tpu.memref_slice %arg7[%dma_wait3A_405, %dma_wait3A_406] : memref<400x128xf32, #tpu.memory_space<vmem>> -> memref<400x64xf32, #tpu.memory_space<vmem>>
    %dma_wait3A_408 = arith.constant 0 : i32
    %dma_wait3A_409 = tpu.memref_slice %arg4[%add3A_348, %dma_wait3A_408] : memref<204800x64xf32, #tpu.memory_space<hbm>> -> memref<400x64xf32, #tpu.memory_space<hbm>>
    %dma_wait3A_410 = arith.constant 0 : i32
    %dma_wait3A_411 = tpu.memref_slice %arg4[%add3A_348, %dma_wait3A_410] : memref<204800x64xf32, #tpu.memory_space<hbm>> -> memref<400x64xf32, #tpu.memory_space<hbm>>
    %dma_wait3A_412 = arith.constant 0 : i32
    %dma_wait3A_413 = arith.constant 0 : i32
    %dma_wait3A_414 = tpu.memref_slice %arg7[%dma_wait3A_412, %dma_wait3A_413] : memref<400x128xf32, #tpu.memory_space<vmem>> -> memref<400x64xf32, #tpu.memory_space<vmem>>
    tpu.wait_dma2 semaphore(%arg10 : memref<!tpu.dma_semaphore, #tpu.memory_space<semaphore_mem>>) src(%dma_wait3A_414 : memref<400x64xf32, #tpu.memory_space<vmem>>) dst(%dma_wait3A_411 : memref<400x64xf32, #tpu.memory_space<hbm>>)
    "tpu.region"() ({
      %run_scoped3A = tpu.sem_alloc : memref<!tpu.dma_semaphore, #tpu.memory_space<semaphore_mem>>
      %dma_start3A_451 = tpu.memref_slice %arg3[%add3A_404] : memref<204800xi32, #tpu.memory_space<hbm>> -> memref<400xi32, #tpu.memory_space<hbm>>
      %dma_start3A_452 = tpu.memref_slice %arg3[%add3A_404] : memref<204800xi32, #tpu.memory_space<hbm>> -> memref<400xi32, #tpu.memory_space<hbm>>
      tpu.enqueue_dma source(%dma_start3A_452 : memref<400xi32, #tpu.memory_space<hbm>>) target(%arg5 : memref<400xi32, #tpu.memory_space<vmem>>) target_semaphore(%run_scoped3A : memref<!tpu.dma_semaphore, #tpu.memory_space<semaphore_mem>>)
      %dma_wait3A_453 = tpu.memref_slice %arg3[%add3A_404] : memref<204800xi32, #tpu.memory_space<hbm>> -> memref<400xi32, #tpu.memory_space<hbm>>
      %dma_wait3A_454 = tpu.memref_slice %arg3[%add3A_404] : memref<204800xi32, #tpu.memory_space<hbm>> -> memref<400xi32, #tpu.memory_space<hbm>>
      tpu.wait_dma2 semaphore(%run_scoped3A : memref<!tpu.dma_semaphore, #tpu.memory_space<semaphore_mem>>) src(%dma_wait3A_454 : memref<400xi32, #tpu.memory_space<hbm>>) dst(%arg5 : memref<400xi32, #tpu.memory_space<vmem>>)
      tpu.yield
    }) : () -> ()
    %dma_start3A_415 = arith.constant 0 : i32
    %dma_start3A_416 = arith.constant 0 : i32
    %dma_start3A_417 = tpu.memref_slice %arg2[%dma_start3A_415, %dma_start3A_416] : memref<131072x128xf32, #tpu.memory_space<hbm>> -> memref<131072x128xf32, #tpu.memory_space<hbm>>
    tpu.enqueue_indirect_dma source(%dma_start3A_417 : memref<131072x128xf32, #tpu.memory_space<hbm>>) target(%arg7 : memref<400x128xf32, #tpu.memory_space<vmem>>) offsets(%arg5 : memref<400xi32, #tpu.memory_space<vmem>>) semaphore(%arg8 : memref<!tpu.dma_semaphore, #tpu.memory_space<semaphore_mem>>)
    %dma_wait3A_418 = arith.constant 0 : i32
    %dma_wait3A_419 = arith.constant 0 : i32
    %dma_wait3A_420 = tpu.memref_slice %arg2[%dma_wait3A_418, %dma_wait3A_419] : memref<131072x128xf32, #tpu.memory_space<hbm>> -> memref<131072x128xf32, #tpu.memory_space<hbm>>
    tpu.wait_indirect_dma semaphore(%arg8 : memref<!tpu.dma_semaphore, #tpu.memory_space<semaphore_mem>>) src(%dma_wait3A_420 : memref<131072x128xf32, #tpu.memory_space<hbm>>) dst(%arg7 : memref<400x128xf32, #tpu.memory_space<vmem>>)
    %dma_start3A_421 = arith.constant 0 : i32
    %dma_start3A_422 = arith.constant 0 : i32
    %dma_start3A_423 = tpu.memref_slice %arg7[%dma_start3A_421, %dma_start3A_422] : memref<400x128xf32, #tpu.memory_space<vmem>> -> memref<400x64xf32, #tpu.memory_space<vmem>>
    %dma_start3A_424 = arith.constant 0 : i32
    %dma_start3A_425 = tpu.memref_slice %arg4[%add3A_404, %dma_start3A_424] : memref<204800x64xf32, #tpu.memory_space<hbm>> -> memref<400x64xf32, #tpu.memory_space<hbm>>
    %dma_start3A_426 = arith.constant 0 : i32
    %dma_start3A_427 = tpu.memref_slice %arg4[%add3A_404, %dma_start3A_426] : memref<204800x64xf32, #tpu.memory_space<hbm>> -> memref<400x64xf32, #tpu.memory_space<hbm>>
    %dma_start3A_428 = arith.constant 0 : i32
    %dma_start3A_429 = arith.constant 0 : i32
    %dma_start3A_430 = tpu.memref_slice %arg7[%dma_start3A_428, %dma_start3A_429] : memref<400x128xf32, #tpu.memory_space<vmem>> -> memref<400x64xf32, #tpu.memory_space<vmem>>
    tpu.enqueue_dma source(%dma_start3A_430 : memref<400x64xf32, #tpu.memory_space<vmem>>) target(%dma_start3A_427 : memref<400x64xf32, #tpu.memory_space<hbm>>) target_semaphore(%arg10 : memref<!tpu.dma_semaphore, #tpu.memory_space<semaphore_mem>>)
    %dma_wait3A_431 = arith.constant 0 : i32
    %dma_wait3A_432 = arith.constant 0 : i32
    %dma_wait3A_433 = tpu.memref_slice %arg6[%dma_wait3A_431, %dma_wait3A_432] : memref<400x128xf32, #tpu.memory_space<vmem>> -> memref<400x64xf32, #tpu.memory_space<vmem>>
    %dma_wait3A_434 = arith.constant 0 : i32
    %dma_wait3A_435 = tpu.memref_slice %arg4[%add3A_376, %dma_wait3A_434] : memref<204800x64xf32, #tpu.memory_space<hbm>> -> memref<400x64xf32, #tpu.memory_space<hbm>>
    %dma_wait3A_436 = arith.constant 0 : i32
    %dma_wait3A_437 = tpu.memref_slice %arg4[%add3A_376, %dma_wait3A_436] : memref<204800x64xf32, #tpu.memory_space<hbm>> -> memref<400x64xf32, #tpu.memory_space<hbm>>
    %dma_wait3A_438 = arith.constant 0 : i32
    %dma_wait3A_439 = arith.constant 0 : i32
    %dma_wait3A_440 = tpu.memref_slice %arg6[%dma_wait3A_438, %dma_wait3A_439] : memref<400x128xf32, #tpu.memory_space<vmem>> -> memref<400x64xf32, #tpu.memory_space<vmem>>
    tpu.wait_dma2 semaphore(%arg9 : memref<!tpu.dma_semaphore, #tpu.memory_space<semaphore_mem>>) src(%dma_wait3A_440 : memref<400x64xf32, #tpu.memory_space<vmem>>) dst(%dma_wait3A_437 : memref<400x64xf32, #tpu.memory_space<hbm>>)
    %dma_wait3A_441 = arith.constant 0 : i32
    %dma_wait3A_442 = arith.constant 0 : i32
    %dma_wait3A_443 = tpu.memref_slice %arg7[%dma_wait3A_441, %dma_wait3A_442] : memref<400x128xf32, #tpu.memory_space<vmem>> -> memref<400x64xf32, #tpu.memory_space<vmem>>
    %dma_wait3A_444 = arith.constant 0 : i32
    %dma_wait3A_445 = tpu.memref_slice %arg4[%add3A_404, %dma_wait3A_444] : memref<204800x64xf32, #tpu.memory_space<hbm>> -> memref<400x64xf32, #tpu.memory_space<hbm>>
    %dma_wait3A_446 = arith.constant 0 : i32
    %dma_wait3A_447 = tpu.memref_slice %arg4[%add3A_404, %dma_wait3A_446] : memref<204800x64xf32, #tpu.memory_space<hbm>> -> memref<400x64xf32, #tpu.memory_space<hbm>>
    %dma_wait3A_448 = arith.constant 0 : i32
    %dma_wait3A_449 = arith.constant 0 : i32
    %dma_wait3A_450 = tpu.memref_slice %arg7[%dma_wait3A_448, %dma_wait3A_449] : memref<400x128xf32, #tpu.memory_space<vmem>> -> memref<400x64xf32, #tpu.memory_space<vmem>>
    tpu.wait_dma2 semaphore(%arg10 : memref<!tpu.dma_semaphore, #tpu.memory_space<semaphore_mem>>) src(%dma_wait3A_450 : memref<400x64xf32, #tpu.memory_space<vmem>>) dst(%dma_wait3A_447 : memref<400x64xf32, #tpu.memory_space<hbm>>)
    return
  }
}

module attributes {stable_mosaic.version = 14 : i64} {
  func.func @_prep_body(%arg0: i32, %arg1: memref<256x50xi32, #tpu.memory_space<vmem>>, %arg2: memref<256x1xi32, #tpu.memory_space<vmem>>, %arg3: memref<256x64xf32, #tpu.memory_space<vmem>>, %arg4: memref<32x64xf32, #tpu.memory_space<vmem>>, %arg5: memref<32x64xf32, #tpu.memory_space<vmem>>, %arg6: memref<10x64xf32, #tpu.memory_space<vmem>>, %arg7: memref<1x64xf32, #tpu.memory_space<vmem>>, %arg8: memref<1x64xf32, #tpu.memory_space<vmem>>, %arg9: memref<1x128xf32, #tpu.memory_space<vmem>>, %arg10: memref<1x128xf32, #tpu.memory_space<vmem>>, %arg11: memref<8192x128xf32, #tpu.memory_space<vmem>>, %arg12: memref<256x50xi32, #tpu.memory_space<vmem>>) attributes {dimension_semantics = [#tpu.dimension_semantics<arbitrary>], iteration_bounds = array<i64: 16>, scalar_prefetch = 0 : i64, scratch_operands = 0 : i64, tpu.core_type = #tpu.core_type<tc>, window_params = [{transform_indices = @transform_0, window_bounds = array<i64: 256, 50>}, {transform_indices = @transform_1, window_bounds = array<i64: 256, 1>}, {transform_indices = @transform_2, window_bounds = array<i64: 256, 64>}, {pipeline_mode = #tpu.pipeline_mode<synchronous>, transform_indices = @transform_3, window_bounds = array<i64: 32, 64>}, {pipeline_mode = #tpu.pipeline_mode<synchronous>, transform_indices = @transform_4, window_bounds = array<i64: 32, 64>}, {pipeline_mode = #tpu.pipeline_mode<synchronous>, transform_indices = @transform_5, window_bounds = array<i64: 10, 64>}, {pipeline_mode = #tpu.pipeline_mode<synchronous>, transform_indices = @transform_6, window_bounds = array<i64: 1, 64>}, {pipeline_mode = #tpu.pipeline_mode<synchronous>, transform_indices = @transform_7, window_bounds = array<i64: 1, 64>}, {pipeline_mode = #tpu.pipeline_mode<synchronous>, transform_indices = @transform_8, window_bounds = array<i64: 1, 128>}, {pipeline_mode = #tpu.pipeline_mode<synchronous>, transform_indices = @transform_9, window_bounds = array<i64: 1, 128>}, {transform_indices = @transform_10, window_bounds = array<i64: 8192, 128>}, {transform_indices = @transform_11, window_bounds = array<i64: 256, 50>}]} {
    %get3A = arith.constant 0 : index
    %get3A_0 = arith.constant 0 : index
    %get3A_1 = vector.load %arg4[%get3A, %get3A_0] : memref<32x64xf32, #tpu.memory_space<vmem>>, vector<32x64xf32>
    %get3A_2 = arith.constant 0 : index
    %get3A_3 = arith.constant 0 : index
    %get3A_4 = vector.load %arg5[%get3A_2, %get3A_3] : memref<32x64xf32, #tpu.memory_space<vmem>>, vector<32x64xf32>
    %add3A = arith.addf %get3A_1, %get3A_4 : vector<32x64xf32>
    %reduce_sum3A = arith.constant dense<0.000000e+00> : vector<32xf32>
    %reduce_sum3A_5 = vector.multi_reduction <add>, %add3A, %reduce_sum3A [1] : vector<32x64xf32> to vector<32xf32>
    %broadcast_in_dim3A = vector.shape_cast %reduce_sum3A_5 : vector<32xf32> to vector<32x1xf32>
    %div3A = arith.constant 6.400000e+01 : f32
    %div3A_6 = vector.broadcast %div3A : f32 to vector<32x1xf32>
    %div3A_7 = arith.divf %broadcast_in_dim3A, %div3A_6 : vector<32x1xf32>
    %sub3A = vector.broadcast %div3A_7 : vector<32x1xf32> to vector<32x64xf32>
    %sub3A_8 = arith.subf %add3A, %sub3A : vector<32x64xf32>
    %mul3A = arith.mulf %sub3A_8, %sub3A_8 : vector<32x64xf32>
    %reduce_sum3A_9 = arith.constant dense<0.000000e+00> : vector<32xf32>
    %reduce_sum3A_10 = vector.multi_reduction <add>, %mul3A, %reduce_sum3A_9 [1] : vector<32x64xf32> to vector<32xf32>
    %broadcast_in_dim3A_11 = vector.shape_cast %reduce_sum3A_10 : vector<32xf32> to vector<32x1xf32>
    %div3A_12 = arith.constant 6.400000e+01 : f32
    %div3A_13 = vector.broadcast %div3A_12 : f32 to vector<32x1xf32>
    %div3A_14 = arith.divf %broadcast_in_dim3A_11, %div3A_13 : vector<32x1xf32>
    %add3A_15 = arith.constant 9.99999974E-6 : f32
    %add3A_16 = vector.broadcast %add3A_15 : f32 to vector<32x1xf32>
    %add3A_17 = arith.addf %div3A_14, %add3A_16 : vector<32x1xf32>
    %rsqrt3A = math.rsqrt %add3A_17 : vector<32x1xf32>
    %mul3A_18 = vector.broadcast %rsqrt3A : vector<32x1xf32> to vector<32x64xf32>
    %mul3A_19 = arith.mulf %sub3A_8, %mul3A_18 : vector<32x64xf32>
    %get3A_20 = arith.constant 0 : index
    %get3A_21 = arith.constant 0 : index
    %get3A_22 = vector.load %arg7[%get3A_20, %get3A_21] : memref<1x64xf32, #tpu.memory_space<vmem>>, vector<1x64xf32>
    %mul3A_23 = vector.broadcast %get3A_22 : vector<1x64xf32> to vector<32x64xf32>
    %mul3A_24 = arith.mulf %mul3A_19, %mul3A_23 : vector<32x64xf32>
    %get3A_25 = arith.constant 0 : index
    %get3A_26 = arith.constant 0 : index
    %get3A_27 = vector.load %arg8[%get3A_25, %get3A_26] : memref<1x64xf32, #tpu.memory_space<vmem>>, vector<1x64xf32>
    %add3A_28 = vector.broadcast %get3A_27 : vector<1x64xf32> to vector<32x64xf32>
    %add3A_29 = arith.addf %mul3A_24, %add3A_28 : vector<32x64xf32>
    %get3A_30 = arith.constant 0 : index
    %get3A_31 = arith.constant 0 : index
    %get3A_32 = vector.load %arg2[%get3A_30, %get3A_31] : memref<256x1xi32, #tpu.memory_space<vmem>>, vector<256x1xi32>
    %iota3A = tpu.iota {dimensions = array<i32: 1>} : vector<256x10xi32>
    %eq3A = vector.broadcast %get3A_32 : vector<256x1xi32> to vector<256x10xi32>
    %eq3A_33 = arith.cmpi eq, %eq3A, %iota3A : vector<256x10xi32>
    %convert_element_type3A = arith.extui %eq3A_33 : vector<256x10xi1> to vector<256x10xi32>
    %convert_element_type3A_34 = arith.sitofp %convert_element_type3A : vector<256x10xi32> to vector<256x10xf32>
    %get3A_35 = arith.constant 0 : index
    %get3A_36 = arith.constant 0 : index
    %get3A_37 = vector.load %arg6[%get3A_35, %get3A_36] : memref<10x64xf32, #tpu.memory_space<vmem>>, vector<10x64xf32>
    %dot_general3A = arith.constant dense<0.000000e+00> : vector<256x64xf32>
    %dot_general3A_38 = tpu.matmul %convert_element_type3A_34, %get3A_37, %dot_general3A {dimension_numbers = #tpu.dot_dimension_numbers<[1], [0], [0], [1], [0, 0, 1, 1], [], []>, transpose_lhs_hint = false} : vector<256x10xf32>, vector<10x64xf32>, vector<256x64xf32> -> vector<256x64xf32>
    %get3A_39 = arith.constant 0 : index
    %get3A_40 = arith.constant 0 : index
    %get3A_41 = vector.load %arg3[%get3A_39, %get3A_40] : memref<256x64xf32, #tpu.memory_space<vmem>>, vector<256x64xf32>
    %add3A_42 = arith.addf %dot_general3A_38, %get3A_41 : vector<256x64xf32>
    %concatenate3A = tpu.concatenate %add3A_29, %add3A_29 in 1 : vector<32x64xf32>, vector<32x64xf32> -> vector<32x128xf32>
    %concatenate3A_43 = tpu.concatenate %add3A_42, %add3A_42 in 1 : vector<256x64xf32>, vector<256x64xf32> -> vector<256x128xf32>
    %broadcast_in_dim3A_44 = vector.shape_cast %concatenate3A : vector<32x128xf32> to vector<1x32x128xf32>
    %broadcast_in_dim3A_45 = vector.shape_cast %concatenate3A_43 : vector<256x128xf32> to vector<256x1x128xf32>
    %add3A_46 = vector.broadcast %broadcast_in_dim3A_44 : vector<1x32x128xf32> to vector<256x32x128xf32>
    %add3A_47 = vector.broadcast %broadcast_in_dim3A_45 : vector<256x1x128xf32> to vector<256x32x128xf32>
    %add3A_48 = arith.addf %add3A_46, %add3A_47 : vector<256x32x128xf32>
    %reshape3A = vector.shape_cast %add3A_48 : vector<256x32x128xf32> to vector<8192x128xf32>
    %broadcast_in_dim3A_49 = arith.constant 7.812500e-03 : f32
    %broadcast_in_dim3A_50 = vector.broadcast %broadcast_in_dim3A_49 : f32 to vector<128x128xf32>
    %dot_general3A_51 = arith.constant dense<0.000000e+00> : vector<8192x128xf32>
    %dot_general3A_52 = tpu.matmul %reshape3A, %broadcast_in_dim3A_50, %dot_general3A_51 {dimension_numbers = #tpu.dot_dimension_numbers<[1], [0], [0], [1], [0, 0, 1, 1], [], []>, transpose_lhs_hint = false} : vector<8192x128xf32>, vector<128x128xf32>, vector<8192x128xf32> -> vector<8192x128xf32>
    %mul3A_53 = arith.mulf %reshape3A, %reshape3A : vector<8192x128xf32>
    %dot_general3A_54 = arith.constant dense<0.000000e+00> : vector<8192x128xf32>
    %dot_general3A_55 = tpu.matmul %mul3A_53, %broadcast_in_dim3A_50, %dot_general3A_54 {dimension_numbers = #tpu.dot_dimension_numbers<[1], [0], [0], [1], [0, 0, 1, 1], [], []>, transpose_lhs_hint = false} : vector<8192x128xf32>, vector<128x128xf32>, vector<8192x128xf32> -> vector<8192x128xf32>
    %mul3A_56 = arith.mulf %dot_general3A_52, %dot_general3A_52 : vector<8192x128xf32>
    %sub3A_57 = arith.subf %dot_general3A_55, %mul3A_56 : vector<8192x128xf32>
    %add3A_58 = arith.constant 9.99999974E-6 : f32
    %add3A_59 = vector.broadcast %add3A_58 : f32 to vector<8192x128xf32>
    %add3A_60 = arith.addf %sub3A_57, %add3A_59 : vector<8192x128xf32>
    %rsqrt3A_61 = math.rsqrt %add3A_60 : vector<8192x128xf32>
    %sub3A_62 = arith.subf %reshape3A, %dot_general3A_52 : vector<8192x128xf32>
    %get3A_63 = arith.constant 0 : index
    %get3A_64 = arith.constant 0 : index
    %get3A_65 = vector.load %arg9[%get3A_63, %get3A_64] : memref<1x128xf32, #tpu.memory_space<vmem>>, vector<1x128xf32>
    %mul3A_66 = vector.broadcast %get3A_65 : vector<1x128xf32> to vector<8192x128xf32>
    %mul3A_67 = arith.mulf %rsqrt3A_61, %mul3A_66 : vector<8192x128xf32>
    %mul3A_68 = arith.mulf %sub3A_62, %mul3A_67 : vector<8192x128xf32>
    %get3A_69 = arith.constant 0 : index
    %get3A_70 = arith.constant 0 : index
    %get3A_71 = vector.load %arg10[%get3A_69, %get3A_70] : memref<1x128xf32, #tpu.memory_space<vmem>>, vector<1x128xf32>
    %add3A_72 = vector.broadcast %get3A_71 : vector<1x128xf32> to vector<8192x128xf32>
    %add3A_73 = arith.addf %mul3A_68, %add3A_72 : vector<8192x128xf32>
    %swap3A = arith.constant 0 : index
    %swap3A_74 = arith.constant 0 : index
    %swap3A_75 = vector.load %arg11[%swap3A, %swap3A_74] : memref<8192x128xf32, #tpu.memory_space<vmem>>, vector<8192x128xf32>
    tpu.vector_store %arg11[%swap3A, %swap3A_74], %add3A_73 {strides = array<i32>} : memref<8192x128xf32, #tpu.memory_space<vmem>>, vector<8192x128xf32>,
    %iota3A_76 = tpu.iota {dimensions = array<i32: 0>} : vector<256x50xi32>
    %mul3A_77 = arith.constant 256 : i32
    %mul3A_78 = arith.muli %arg0, %mul3A_77 : i32
    %add3A_79 = vector.broadcast %mul3A_78 : i32 to vector<256x50xi32>
    %add3A_80 = arith.addi %iota3A_76, %add3A_79 : vector<256x50xi32>
    %mul3A_81 = arith.constant 32 : i32
    %mul3A_82 = vector.broadcast %mul3A_81 : i32 to vector<256x50xi32>
    %mul3A_83 = arith.muli %add3A_80, %mul3A_82 : vector<256x50xi32>
    %get3A_84 = arith.constant 0 : index
    %get3A_85 = arith.constant 0 : index
    %get3A_86 = vector.load %arg1[%get3A_84, %get3A_85] : memref<256x50xi32, #tpu.memory_space<vmem>>, vector<256x50xi32>
    %add3A_87 = arith.addi %mul3A_83, %get3A_86 : vector<256x50xi32>
    %swap3A_88 = arith.constant 0 : index
    %swap3A_89 = arith.constant 0 : index
    %swap3A_90 = vector.load %arg12[%swap3A_88, %swap3A_89] : memref<256x50xi32, #tpu.memory_space<vmem>>, vector<256x50xi32>
    tpu.vector_store %arg12[%swap3A_88, %swap3A_89], %add3A_87 {strides = array<i32>} : memref<256x50xi32, #tpu.memory_space<vmem>>, vector<256x50xi32>,
    return
  }
  func.func @transform_0(%arg0: i32) -> (i32, i32) {
    %c0_i32 = arith.constant 0 : i32
    %c0_i32_0 = arith.constant 0 : i32
    return %arg0, %c0_i32 : i32, i32
  }
  func.func @transform_1(%arg0: i32) -> (i32, i32) {
    %c0_i32 = arith.constant 0 : i32
    %c0_i32_0 = arith.constant 0 : i32
    return %arg0, %c0_i32 : i32, i32
  }
  func.func @transform_2(%arg0: i32) -> (i32, i32) {
    %c0_i32 = arith.constant 0 : i32
    %c0_i32_0 = arith.constant 0 : i32
    return %arg0, %c0_i32 : i32, i32
  }
  func.func @transform_3(%arg0: i32) -> (i32, i32) {
    %c0_i32 = arith.constant 0 : i32
    %c0_i32_0 = arith.constant 0 : i32
    %c0_i32_1 = arith.constant 0 : i32
    return %c0_i32, %c0_i32_0 : i32, i32
  }
  func.func @transform_4(%arg0: i32) -> (i32, i32) {
    %c0_i32 = arith.constant 0 : i32
    %c0_i32_0 = arith.constant 0 : i32
    %c0_i32_1 = arith.constant 0 : i32
    return %c0_i32, %c0_i32_0 : i32, i32
  }
  func.func @transform_5(%arg0: i32) -> (i32, i32) {
    %c0_i32 = arith.constant 0 : i32
    %c0_i32_0 = arith.constant 0 : i32
    %c0_i32_1 = arith.constant 0 : i32
    return %c0_i32, %c0_i32_0 : i32, i32
  }
  func.func @transform_6(%arg0: i32) -> (i32, i32) {
    %c0_i32 = arith.constant 0 : i32
    %c0_i32_0 = arith.constant 0 : i32
    %c0_i32_1 = arith.constant 0 : i32
    return %c0_i32, %c0_i32_0 : i32, i32
  }
  func.func @transform_7(%arg0: i32) -> (i32, i32) {
    %c0_i32 = arith.constant 0 : i32
    %c0_i32_0 = arith.constant 0 : i32
    %c0_i32_1 = arith.constant 0 : i32
    return %c0_i32, %c0_i32_0 : i32, i32
  }
  func.func @transform_8(%arg0: i32) -> (i32, i32) {
    %c0_i32 = arith.constant 0 : i32
    %c0_i32_0 = arith.constant 0 : i32
    %c0_i32_1 = arith.constant 0 : i32
    return %c0_i32, %c0_i32_0 : i32, i32
  }
  func.func @transform_9(%arg0: i32) -> (i32, i32) {
    %c0_i32 = arith.constant 0 : i32
    %c0_i32_0 = arith.constant 0 : i32
    %c0_i32_1 = arith.constant 0 : i32
    return %c0_i32, %c0_i32_0 : i32, i32
  }
  func.func @transform_10(%arg0: i32) -> (i32, i32) {
    %c0_i32 = arith.constant 0 : i32
    %c0_i32_0 = arith.constant 0 : i32
    return %arg0, %c0_i32 : i32, i32
  }
  func.func @transform_11(%arg0: i32) -> (i32, i32) {
    %c0_i32 = arith.constant 0 : i32
    %c0_i32_0 = arith.constant 0 : i32
    return %arg0, %c0_i32 : i32, i32
  }
}

</mosaic_0001>

<sc_bundles>
// kernel: kernel.4.cloned.1.call-start
scs
__scs_entry_jumppad:
0x0: {  	(pc) =	sbr.rel $0x88, $3  }
0x1: {  	(tag) =	ssettag $0x0;
	lr =	simm.s32 $0x1  }
0x2: {  	[smem:$0x3F98] =	sst lr;
	_ =	strace $0xD0000000  }
0x3: {  	_ = 	snop  }
0x4: {  	_ = 	snop  }
0x5: {  	_ = 	snop  }
0x6: {  	_ = 	snop  }
0x7: {  	_ = 	snop  }
__scs_overlays_trampoline_lowered:
0x8: {  	[smem:$0x3FA7] =	sst s0  }
0x9: {  	[smem:$0x3FA8] =	sst s1  }
0xa: {  	[smem:$0x3FA9] =	sst s2  }
0xb: {  	[smem:$0x3FAA] =	sst s3  }
0xc: {  	[smem:$0x3FAB] =	sst s4  }
0xd: {  	[smem:$0x3FAC] =	sst s5  }
0xe: {  	[smem:$0x3FAD] =	sst s6  }
0xf: {  	[smem:$0x3FAE] =	sst s7  }
0x10: {  	[smem:$0x3FAF] =	sst s8  }
0x11: {  	[smem:$0x3FB0] =	sst s9;
	s0 =	simm.s32 @!p0 $0x0  }
0x12: {  	s1 =	sld [smem:$0x3F96];
	s0 =	simm.s32 @p0 $0x1  }
0x13: {  	[smem:$0x3FB1] =	sst s0;
	s0 =	simm.s32 @!p1 $0x0  }
0x14: {  	s2 =	sld [smem:$0x3F95];
	s0 =	simm.s32 @p1 $0x1  }
0x15: {  	[smem:$0x3FB2] =	sst s0;
	s0 =	simm.s32 @!p2 $0x0  }
0x16: {  	s3 =	sld [smem:$0x3FDB];
	s0 =	simm.s32 @p2 $0x1  }
0x17: {  	s4 =	simm.s32 $0x1BF5;
	[smem:$0x3FB4] =	sst s0  }
0x18: {  	s0 =	sld [smem:$0x3F97];
	_ =	swait.ge [sflag:s4], $0x0  }
0x19: {  	s7 =	sld [smem:$0x3F98]  }
0x1a: {  	s8 =	sadd.s32 $0xFFFFE003, lr  }
0x1b: {  	s9 =	sadd.s32 $0xFFFFFEF7, lr;
	s5 =	simm.s32 $0xFFFFFFFF;
	p2 =	slt.u32 s8, $0xFFFFF086  }
0x1c: {  	p1 =	slt.u32 s9, $0xF7A;
	s5 =	simm.s32 @!p2 $0x0  }
0x1d: {  	s5 =	simm.s32 @p1 $0x1;
	p0 =	seq.s32 s7, s2  }
0x1e: {  	s7 =	smul.u32 @!p0 $0xF7A, s2;
	p2 =	seq.s32 @!p0 s5, $0x0  }
0x1f: {  	s9 =	smul.u32 $0xF7A, s1;
	s8 =	simm.s32 @!p0 $0x1BF5;
	p2 =	por !p2, p0  }
0x20: {  	[sflag:s8] =	ssyncset.s32 @!p0 $0xFFFFF086;
	s6 =	sadd.s32 @!p0 s3, s7;
	s7 =	simm.s32 @!p0 $0x108  }
0x21: {  	s3 =	sadd.s32 s3, s9;
	s6 =	sadd.s32 @!p0 $0x88, s6;
	s7 =	simm.s32 @p2 $0x1082  }
0x22: {  	[simem:s7], [sflag:s8] =	dma.local @!p0 [hbm:s6], $0xF7A  }
0x23: {  	s9 =	sor.u32 $0xD0000000, s2;
	s6 =	simm.s32 $0x108;
	_ =	swait.ge @!p0 [sflag:s8], $0x0  }
0x24: {  	s3 =	sadd.s32 $0x88, s3;
	s6 =	simm.s32 @!p1 $0x1082;
	[sflag:s4] =	ssyncset.s32 $0xFFFFF086  }
0x25: {  	[simem:s6], [sflag:s4] =	dma.local [hbm:s3], $0xF7A  }
0x26: {  	[smem:$0x3F98] =	sst s1;
	(tag) =	ssettag s2;
	_ =	strace s9  }
0x27: {  	s1 =	sld [smem:$0x3FA8]  }
0x28: {  	s2 =	sld [smem:$0x3FA9]  }
0x29: {  	s4 =	sld [smem:$0x3FAB]  }
0x2a: {  	p0 =	seq.s32 s5, $0x0;
	s5 =	sld [smem:$0x3FAC]  }
0x2b: {  	s6 =	sld [smem:$0x3FAD]  }
0x2c: {  	s7 =	sld [smem:$0x3FAE]  }
0x2d: {  	s3 =	simm.s32 $0x108;
	s8 =	sld [smem:$0x3FAF]  }
0x2e: {  	s3 =	simm.s32 @!p0 $0x1082;
	s9 =	sld [smem:$0x3FB0]  }
0x2f: {  	lr =	sadd.s32 s0, s3;
	s0 =	sld [smem:$0x3FA7]  }
0x30: {  	s3 =	sld [smem:$0x3FAA]  }
0x31: {  	[smem:$0x3FB3] =	sst s10  }
0x32: {  	s10 =	sld [smem:$0x3FB1];
	_ =	sdelay $0x3  }
0x33: {  	p0 =	seq.s32 s10, $0x1;
	s10 =	sld [smem:$0x3FB3];
	_ =	sdelay $0x3  }
0x34: {  	[smem:$0x3FB3] =	sst s10  }
0x35: {  	s10 =	sld [smem:$0x3FB2];
	_ =	sdelay $0x3  }
0x36: {  	p1 =	seq.s32 s10, $0x1;
	s10 =	sld [smem:$0x3FB3];
	_ =	sdelay $0x3  }
0x37: {  	[smem:$0x3FB3] =	sst s10  }
0x38: {  	s10 =	sld [smem:$0x3FB4]  }
0x39: {  	_ = 	snop;
	(pc) =	sbr.ind lr, $3  }
0x3a: {  	_ = 	snop  }
0x3b: {  	_ = 	snop  }
0x3c: {  	p2 =	seq.s32 s10, $0x1;
	s10 =	sld [smem:$0x3FB3]  }
0x3d: {  	_ =	shalt  }
0x3e: {  	_ =	shalt  }
0x3f: {  	_ =	shalt  }
0x40: {  	_ =	shalt  }
0x41: {  	_ =	shalt  }
0x42: {  	_ =	shalt  }
0x43: {  	_ =	shalt  }
0x44: {  	_ =	shalt  }
0x45: {  	_ =	shalt  }
0x46: {  	_ =	shalt  }
0x47: {  	_ =	shalt  }
0x48: {  	_ =	shalt  }
0x49: {  	_ =	shalt  }
0x4a: {  	_ =	shalt  }
0x4b: {  	_ =	shalt  }
0x4c: {  	_ =	shalt  }
0x4d: {  	_ =	shalt  }
0x4e: {  	_ =	shalt  }
0x4f: {  	_ =	shalt  }
0x50: {  	_ =	shalt  }
0x51: {  	_ =	shalt  }
0x52: {  	_ =	shalt  }
0x53: {  	_ =	shalt  }
0x54: {  	_ =	shalt  }
0x55: {  	_ =	shalt  }
0x56: {  	_ =	shalt  }
0x57: {  	_ =	shalt  }
0x58: {  	_ =	shalt  }
0x59: {  	_ =	shalt  }
0x5a: {  	_ =	shalt  }
0x5b: {  	_ =	shalt  }
0x5c: {  	_ =	shalt  }
0x5d: {  	_ =	shalt  }
0x5e: {  	_ =	shalt  }
0x5f: {  	_ =	shalt  }
0x60: {  	_ =	shalt  }
0x61: {  	_ =	shalt  }
0x62: {  	_ =	shalt  }
0x63: {  	_ =	shalt  }
0x64: {  	_ =	shalt  }
0x65: {  	_ =	shalt  }
0x66: {  	_ =	shalt  }
0x67: {  	_ =	shalt  }
0x68: {  	_ =	shalt  }
0x69: {  	_ =	shalt  }
0x6a: {  	_ =	shalt  }
0x6b: {  	_ =	shalt  }
0x6c: {  	_ =	shalt  }
0x6d: {  	_ =	shalt  }
0x6e: {  	_ =	shalt  }
0x6f: {  	_ =	shalt  }
0x70: {  	_ =	shalt  }
0x71: {  	_ =	shalt  }
0x72: {  	_ =	shalt  }
0x73: {  	_ =	shalt  }
0x74: {  	_ =	shalt  }
0x75: {  	_ =	shalt  }
0x76: {  	_ =	shalt  }
0x77: {  	_ =	shalt  }
0x78: {  	_ =	shalt  }
0x79: {  	_ =	shalt  }
0x7a: {  	_ =	shalt  }
0x7b: {  	_ =	shalt  }
0x7c: {  	_ =	shalt  }
0x7d: {  	_ =	shalt  }
0x7e: {  	_ =	shalt  }
0x7f: {  	_ =	shalt  }
0x80: {  	_ =	shalt  }
0x81: {  	_ =	shalt  }
0x82: {  	_ =	shalt  }
0x83: {  	_ =	shalt  }
0x84: {  	_ =	shalt  }
0x85: {  	_ =	shalt  }
0x86: {  	_ =	shalt  }
0x87: {  	_ =	shalt  }
.Lfunc_end0:
.L_simem_size_0:
called_computation.1_lowered:
.L_overlay_start_0:
0x88: {  	s2 =	sld [smem:$0x3FD9]  }
0x89: {  	s3 =	sld [smem:$0x3FFE];
	_ =	sdelay $0x1  }
0x8a: {  	s1 =	srdreg.scid  }
0x8b: {  	s0 =	sand.u32 $0x1, s1  }
0x8c: {  	s17 =	sshll.u32 s0, $0xA;
	s2 =	sadd.s32 s3, s2  }
0x8d: {  	s2 =	sadd.s32 s2, s17  }
0x8e: {  	[smem:$0x3FBF] =	sst s2  }
0x8f: {  	_ = 	snop  }
0x90: {  	s2 =	sld [smem:$0x3FD0];
	(tm) =	ssettm $0x1  }
0x91: {  	s18 =	sld [smem:$0x3FFB];
	_ =	sdelay $0x3  }
0x92: {  	_ =	strace s18  }
0x93: {  	s3 =	sld [smem:$0x3FFC];
	_ =	sdelay $0x3  }
0x94: {  	_ =	strace s3  }
0x95: {  	s3 =	sld [smem:$0x3FFD];
	_ =	sdelay $0x3  }
0x96: {  	_ =	strace s3  }
0x97: {  	_ =	strace $0x8FFFFFFF  }
0x98: {  	s19 =	sld [smem:$0x3FDB];
	_ =	sdelay $0x1  }
0x99: {  	s4 =	simm.s32 $_scs_section_size  }
0x9a: {  	s5 =	simm.s32 $_size__tile_overlayer_lowered;
	s6 =	simm.s32 $_tile_overlayer_lowered  }
0x9b: {  	s22 =	simm.s32 $0x1BFF;
	s21 =	sshll.u32 s6, $0x1;
	s3 =	sadd.s32 s4, s19  }
0x9c: {  	s7 =	simm.s32 $0x0;
	s20 =	sshll.u32 s5, $0x1;
	s5 =	sadd.s32 s21, s3  }
0x9d: {  	[timem:s7], [sflag:s22] =	dma.local [hbm:s5], s20  }
0x9e: {  	_ =	swait.ge [sflag:s22], s20  }
0x9f: {  	s4 =	ssub.s32 $0x0, s20;
	[sflag:s22] =	ssyncset.done $0x0  }
0xa0: {  	[sflag:s22] =	ssyncadd.s32 s4;
	_ =	sdelay $0x1  }
0xa1: {  	s23 =	simm.s32 $0x1B8B  }
0xa2: {  	_ =	swait.ge [sflag:s23], $0x1  }
0xa3: {  	[sflag:s23] =	ssyncset.done $0x0  }
0xa4: {  	s25 =	simm.s32 $0x1B8E;
	s24 =	sld [smem:$0x3FFE];
	[sflag:s23] =	ssyncadd.s32 $0xFFFFFFFF  }
0xa5: {  	s26 =	simm.s32 $execute0_lowered;
	[smem:$0x3FD2] =	sst s25  }
0xa6: {  	s5 =	sshll.u32 s26, $0x1;
	_ =	strace $0x80000046;
	[dreg:$0x1] =	wrdreg $0xFFFFFFFF  }
0xa7: {  	s28 =	simm.s32 $_size_execute0_lowered;
	s3 =	sadd.s32 s3, s5;
	[dreg:$0x0] =	wrdreg $0x0  }
0xa8: {  	s5 =	sshll.u32 s28, $0x1;
	[dreg:$0x2] =	wrdreg s3  }
0xa9: {  	[dreg:$0x3] =	wrdreg s5  }
0xaa: {  	[dreg:$0x4] =	wrdreg $0xC0  }
0xab: {  	_ =	task [dreg:s7], $0x5FFFF  }
0xac: {  	[dreg:$0x1] =	wrdreg $0xFFFFFFFF  }
0xad: {  	[dreg:$0x0] =	wrdreg $0x60  }
0xae: {  	[dreg:$0x2] =	wrdreg s24  }
0xaf: {  	[dreg:$0x3] =	wrdreg s2  }
0xb0: {  	[dreg:$0x4] =	wrdreg $0x9  }
0xb1: {  	_ =	task.clear_ibuf [dreg:s7], $0x5FFFF;
	_ =	strace $0x90000046  }
0xb2: {  	s29 =	simm.s32 $0x9;
	_ =	strace $0x80000048  }
0xb3: {  	_ =	swait.ge [sflag:s29], $0x1  }
0xb4: {  	[sflag:s29] =	ssyncadd.s32 $0xFFFFFFFF  }
0xb5: {  	_ =	strace $0x90000048  }
0xb6: {  	_ =	sfence  }
0xb7: {  	s30 =	sld [smem:$0x0];
	_ =	sdelay $0x2  }
0xb8: {  	s31 =	sshll.u32 s1, $0xD;
	s1 =	sshrl.u32 s1, $0x2  }
0xb9: {  	s3 =	sand.u32 $0x4000, s31;
	s1 =	sadd.s32 s1, s30  }
0xba: {  	s0 =	sor.u32 s3, s0;
	s1 =	sshll.u32 s1, $0x11  }
0xbb: {  	s0 =	sor.u32 s1, s0  }
0xbc: {  	s0 =	sadd.s32 $0x8F2B, s0  }
0xbd: {  	[sflag:s0] =	ssyncadd.remote.s32 $0x1  }
0xbe: {  	_ =	sfence.sel $0xFFFF  }
0xbf: {  	[dreg:$0x0] =	wrdreg $0xFFFFFFFF;
	(pc) =	sbr.abs _section_cstart, $3  }
0xc0: {  	[dreg:$0x1] =	wrdreg $0xFFFFFFFF  }
0xc1: {  	_ =	task.clear_ibuf [dreg:s7], $0x2FFFF;
	_ =	strace $0x9FFFFFFF  }
0xc2: {  	(tm) =	ssettm $0x7FFFFFFF  }
0xc3: {  	_ =	shalt  }
tec
execute0_lowered:
.L_overlay_start_1:
0x0: {  	(tag) =	ssettag $0x1  }
0x1: {  	s0 =	srdreg.scid;
	s1 =	stileid.u32  }
0x2: {  	s0 =	sand.u32 $0x1, s0;
	s1 =	sshll.u32 s1, $0x1  }
0x3: {  	s1 =	sor.u32 s0, s1  }
0x4: {  	s3 =	rddreg [dreg:$0x0];
	s0 =	ssub.s32 $0x2, s0;
	s2 =	smul.u32 $0x1900, s1  }
0x5: {  	s5 =	sadd.s32 $0x201800, s3;
	s3 =	sadd.s32 $0x1800, s3;
	s4 =	sshrl.u32 s0, $0x1  }
0x6: {  	s18 =	smul.u32 $0xC800, s1;
	s4 =	ssub.s32 s0, s4;
	s6 =	sshrl.u32 s2, $0x3  }
0x7: {  	s1 =	sadd.s32 $0x190, s2;
	s20 =	sadd.s32 $0x320, s2;
	s26 =	sadd.s32 $0xE10, s2  }
0x8: {  	s30 =	sadd.s32 $0x12C0, s2;
	s0 =	sadd.s32 $0x1450, s2;
	s4 =	smax.u32 s4, $0x1  }
0x9: {  	s9 =	sadd.s32 s5, s6;
	s7 =	sshrl.u32 s1, $0x3;
	s8 =	sshrl.u32 s20, $0x3  }
0xa: {  	s22 =	sshrl.u32 s26, $0x3;
	s6 =	sshrl.u32 s30, $0x3;
	s1 =	sshll.u32 s1, $0x3  }
0xb: {  	[dreg:$0x3] =	wrdreg s9;
	s9 =	sadd.s32 $0x4B0, s2;
	s10 =	sadd.s32 s5, s7  }
0xc: {  	s11 =	sadd.s32 s5, s8;
	s7 =	sadd.s32 $0x640, s2;
	s8 =	sadd.s32 $0x7D0, s2  }
0xd: {  	s23 =	sadd.s32 s5, s22;
	s22 =	sshll.u32 s20, $0x3;
	[dreg:$0x4] =	wrdreg s10  }
0xe: {  	[dreg:$0x5] =	wrdreg s11;
	s12 =	sshrl.u32 s9, $0x3;
	s10 =	sshrl.u32 s7, $0x3  }
0xf: {  	s11 =	sshrl.u32 s8, $0x3;
	[dreg:$0xc] =	wrdreg s23;
	s9 =	sshll.u32 s9, $0x3  }
0x10: {  	s23 =	sshll.u32 s7, $0x3;
	s7 =	simm.s32 $0x190;
	s13 =	sadd.s32 s5, s12  }
0x11: {  	s12 =	sadd.s32 $0x960, s2;
	s14 =	sadd.s32 s5, s10;
	[dreg:$0x6] =	wrdreg s13  }
0x12: {  	s15 =	sadd.s32 s5, s11;
	s10 =	sadd.s32 $0xAF0, s2;
	[dreg:$0x7] =	wrdreg s14  }
0x13: {  	s11 =	sadd.s32 $0xC80, s2;
	[dreg:$0x8] =	wrdreg s15;
	s16 =	sshrl.u32 s12, $0x3  }
0x14: {  	s13 =	sshrl.u32 s10, $0x3;
	s14 =	sshrl.u32 s11, $0x3;
	s17 =	sadd.s32 s5, s16  }
0x15: {  	s19 =	sadd.s32 s5, s13;
	s21 =	sadd.s32 s5, s14;
	[dreg:$0x9] =	wrdreg s17  }
0x16: {  	s13 =	sadd.s32 $0xFA0, s2;
	s14 =	sadd.s32 $0x1130, s2;
	[dreg:$0xa] =	wrdreg s19  }
0x17: {  	[dreg:$0xb] =	wrdreg s21;
	s15 =	sshrl.u32 s13, $0x3;
	s16 =	sshrl.u32 s14, $0x3  }
0x18: {  	s17 =	sshrl.u32 s0, $0x3;
	s0 =	sshll.u32 s0, $0x3;
	s24 =	sadd.s32 s5, s15  }
0x19: {  	s25 =	sadd.s32 s5, s16;
	s16 =	sadd.s32 s5, s6;
	[dreg:$0xd] =	wrdreg s24  }
0x1a: {  	s6 =	sadd.s32 $0x15E0, s2;
	s2 =	sadd.s32 $0x1770, s2;
	[dreg:$0xe] =	wrdreg s25  }
0x1b: {  	s15 =	sadd.s32 s5, s17;
	s17 =	simm.s32 $0x0;
	[dreg:$0xf] =	wrdreg s16  }
0x1c: {  	s19 =	sshrl.u32 s6, $0x3;
	[dreg:$0x10] =	wrdreg s15;
	s21 =	sshrl.u32 s2, $0x3  }
0x1d: {  	[smem:$0x7FF] =	sst s17;
	s24 =	sshll.u32 s8, $0x3;
	s25 =	sshll.u32 s12, $0x3  }
0x1e: {  	s8 =	sshll.u32 s10, $0x3;
	s10 =	sshll.u32 s26, $0x3;
	s12 =	sshll.u32 s14, $0x3  }
0x1f: {  	s14 =	sshll.u32 s6, $0x3;
	s2 =	sshll.u32 s2, $0x3;
	s6 =	simm.s32 $0x1  }
0x20: {  	s15 =	sadd.s32 s5, s19;
	s16 =	sadd.s32 s5, s21;
	s5 =	rddreg [dreg:$0x1]  }
0x21: {  	_ =	strace $0x80000047;
	s18 =	sadd.s32 s5, s18;
	s19 =	sadd.s32 s5, s1  }
0x22: {  	s20 =	sadd.s32 s5, s22;
	s21 =	sadd.s32 s5, s9;
	s22 =	sadd.s32 s5, s23  }
0x23: {  	s23 =	sadd.s32 s5, s24;
	s24 =	sadd.s32 s5, s25;
	s25 =	sadd.s32 s5, s8  }
0x24: {  	s9 =	sshll.u32 s11, $0x3;
	s28 =	sadd.s32 s5, s10;
	s11 =	sshll.u32 s13, $0x3  }
0x25: {  	s13 =	sshll.u32 s30, $0x3;
	s30 =	sadd.s32 s5, s12;
	s0 =	sadd.s32 s5, s0  }
0x26: {  	s1 =	sadd.s32 s5, s14;
	s2 =	sadd.s32 s5, s2;
	s8 =	simm.s32 $0x2  }
0x27: {  	s10 =	simm.s32 $0x0;
	s26 =	sadd.s32 s5, s9;
	s29 =	sadd.s32 s5, s11  }
0x28: {  	s31 =	sadd.s32 s5, s13;
	s5 =	simm.s32 $0x4;
	s9 =	simm.s32 $0x3  }
.LBB2_1:
0x29: {  	s11 =	rddreg [dreg:$0x3]  }
0x2a: {  	[tilespmem:s17], [sflag:$0x4] =	stream.linear.gather [hbm4b:s11+s17], $0x190, $0x38;
	[tilespmem:$0x19190] =	vst v63  }
0x2b: {  	_ =	swait.ge [sflag:s5], $0x190  }
0x2c: {  	[sflag:s5] =	ssyncset.done $0x0  }
0x2d: {  	[sflag:s5] =	ssyncadd.s32 $0xFFFFFE70  }
0x2e: {  	[tilespmem:s7], [sflag:$0x1] =	stream.indirect.gather [hbm4b:s3+s7], $0x80, s17, s7, $0xb8;
	[tilespmem:$0x19190] =	vst v63  }
0x2f: {  	_ =	swait.ge [sflag:s6], $0xC800  }
0x30: {  	s14 =	sadd.s32 $0x0, s18;
	s12 =	simm.s32 $0x210;
	[sflag:s6] =	ssyncset.done $0x0  }
0x31: {  	s13 =	simm.s32 $0x190;
	s11 =	simm.s32 $0x8;
	[sflag:s6] =	ssyncadd.s32 $0xFFFF3800  }
.LBB2_2:
0x32: {  	[hbm4b:s14+s17] =	stream.linear.scatter [tilespmem:s13], [sflag:$0x2], $0x40, $0x38;
	[tilespmem:$0x19190] =	vst v63  }
0x33: {  	s14 =	smov.u32 s11;
	s13 =	smov.u32 s12;
	p0 =	sne.s32 s11, $0xC78  }
.Ltmp0:
0x34: {  	s11 =	sadd.s32 $0x8, s11;
	(pc) =	sbr.rel @p0 .LBB2_2-.Ltmp0, $2  }
0x35: {  	_ =	sdelay $0x2  }
0x36: {  	s12 =	sadd.s32 $0x80, s12;
	s14 =	sadd.s32 s14, s18  }
0x37: {  	[hbm4b:s14+s17] =	stream.linear.scatter [tilespmem:s13], [sflag:$0x2], $0x40, $0x38;
	[tilespmem:$0x19190] =	vst v63  }
0x38: {  	s12 =	simm.s32 $0x0;
	s11 =	rddreg [dreg:$0x4]  }
0x39: {  	[tilespmem:s12], [sflag:$0x4] =	stream.linear.gather [hbm4b:s11+s12], $0x190, $0x38;
	[tilespmem:$0x19190] =	vst v63  }
0x3a: {  	_ =	swait.ge [sflag:s5], $0x190  }
0x3b: {  	[sflag:s5] =	ssyncset.done $0x0  }
0x3c: {  	s11 =	simm.s32 $0xC990;
	[sflag:s5] =	ssyncadd.s32 $0xFFFFFE70  }
0x3d: {  	[tilespmem:s11], [sflag:$0x1] =	stream.indirect.gather [hbm4b:s3+s7], $0x80, s12, s7, $0xb8;
	[tilespmem:$0x19190] =	vst v63  }
0x3e: {  	_ =	swait.ge [sflag:s6], $0xC800  }
0x3f: {  	s14 =	sadd.s32 $0x0, s19;
	[sflag:s6] =	ssyncset.done $0x0  }
0x40: {  	s13 =	simm.s32 $0xCA10;
	s12 =	simm.s32 $0x8;
	[sflag:s6] =	ssyncadd.s32 $0xFFFF3800  }
.LBB2_4:
0x41: {  	[hbm4b:s14+s17] =	stream.linear.scatter [tilespmem:s11], [sflag:$0x3], $0x40, $0x38;
	[tilespmem:$0x19190] =	vst v63  }
0x42: {  	s14 =	smov.u32 s12;
	s11 =	smov.u32 s13;
	p0 =	sne.s32 s12, $0xC78  }
.Ltmp1:
0x43: {  	s12 =	sadd.s32 $0x8, s12;
	(pc) =	sbr.rel @p0 .LBB2_4-.Ltmp1, $2  }
0x44: {  	_ =	sdelay $0x2  }
0x45: {  	s13 =	sadd.s32 $0x80, s13;
	s14 =	sadd.s32 s14, s19  }
0x46: {  	[hbm4b:s14+s17] =	stream.linear.scatter [tilespmem:s11], [sflag:$0x3], $0x40, $0x38;
	[tilespmem:$0x19190] =	vst v63  }
0x47: {  	_ =	swait.ge [sflag:s8], $0x6400  }
0x48: {  	[sflag:s8] =	ssyncset.done $0x0  }
0x49: {  	s12 =	simm.s32 $0x0;
	s14 =	rddreg [dreg:$0x5];
	[sflag:s8] =	ssyncadd.s32 $0xFFFF9C00  }
0x4a: {  	[tilespmem:s12], [sflag:$0x4] =	stream.linear.gather [hbm4b:s14+s12], $0x190, $0x38;
	[tilespmem:$0x19190] =	vst v63  }
0x4b: {  	_ =	swait.ge [sflag:s5], $0x190  }
0x4c: {  	[sflag:s5] =	ssyncset.done $0x0  }
0x4d: {  	s11 =	simm.s32 $0x190;
	[sflag:s5] =	ssyncadd.s32 $0xFFFFFE70  }
0x4e: {  	[tilespmem:s11], [sflag:$0x1] =	stream.indirect.gather [hbm4b:s3+s11], $0x80, s12, s11, $0xb8;
	[tilespmem:$0x19190] =	vst v63  }
0x4f: {  	_ =	swait.ge [sflag:s6], $0xC800  }
0x50: {  	s13 =	simm.s32 $0x210;
	[sflag:s6] =	ssyncset.done $0x0  }
0x51: {  	s14 =	sadd.s32 $0x0, s20;
	s12 =	simm.s32 $0x8;
	[sflag:s6] =	ssyncadd.s32 $0xFFFF3800  }
.LBB2_6:
0x52: {  	[hbm4b:s14+s17] =	stream.linear.scatter [tilespmem:s11], [sflag:$0x2], $0x40, $0x38;
	[tilespmem:$0x19190] =	vst v63  }
0x53: {  	s14 =	smov.u32 s12;
	s11 =	smov.u32 s13;
	p0 =	sne.s32 s12, $0xC78  }
.Ltmp2:
0x54: {  	s12 =	sadd.s32 $0x8, s12;
	(pc) =	sbr.rel @p0 .LBB2_6-.Ltmp2, $2  }
0x55: {  	_ =	sdelay $0x2  }
0x56: {  	s13 =	sadd.s32 $0x80, s13;
	s14 =	sadd.s32 s14, s20  }
0x57: {  	[hbm4b:s14+s17] =	stream.linear.scatter [tilespmem:s11], [sflag:$0x2], $0x40, $0x38;
	[tilespmem:$0x19190] =	vst v63  }
0x58: {  	_ =	swait.ge [sflag:s9], $0x6400  }
0x59: {  	[sflag:s9] =	ssyncset.done $0x0  }
0x5a: {  	s12 =	simm.s32 $0x0;
	s14 =	rddreg [dreg:$0x6];
	[sflag:s9] =	ssyncadd.s32 $0xFFFF9C00  }
0x5b: {  	[tilespmem:s12], [sflag:$0x4] =	stream.linear.gather [hbm4b:s14+s12], $0x190, $0x38;
	[tilespmem:$0x19190] =	vst v63  }
0x5c: {  	_ =	swait.ge [sflag:s5], $0x190  }
0x5d: {  	[sflag:s5] =	ssyncset.done $0x0  }
0x5e: {  	s11 =	simm.s32 $0xC990;
	[sflag:s5] =	ssyncadd.s32 $0xFFFFFE70  }
0x5f: {  	[tilespmem:s11], [sflag:$0x1] =	stream.indirect.gather [hbm4b:s3+s7], $0x80, s12, s7, $0xb8;
	[tilespmem:$0x19190] =	vst v63  }
0x60: {  	_ =	swait.ge [sflag:s6], $0xC800  }
0x61: {  	s13 =	simm.s32 $0xCA10;
	[sflag:s6] =	ssyncset.done $0x0  }
0x62: {  	s14 =	sadd.s32 $0x0, s21;
	s12 =	simm.s32 $0x8;
	[sflag:s6] =	ssyncadd.s32 $0xFFFF3800  }
.LBB2_8:
0x63: {  	[hbm4b:s14+s17] =	stream.linear.scatter [tilespmem:s11], [sflag:$0x3], $0x40, $0x38;
	[tilespmem:$0x19190] =	vst v63  }
0x64: {  	s14 =	smov.u32 s12;
	s11 =	smov.u32 s13;
	p0 =	sne.s32 s12, $0xC78  }
.Ltmp3:
0x65: {  	s12 =	sadd.s32 $0x8, s12;
	(pc) =	sbr.rel @p0 .LBB2_8-.Ltmp3, $2  }
0x66: {  	_ =	sdelay $0x2  }
0x67: {  	s13 =	sadd.s32 $0x80, s13;
	s14 =	sadd.s32 s14, s21  }
0x68: {  	[hbm4b:s14+s17] =	stream.linear.scatter [tilespmem:s11], [sflag:$0x3], $0x40, $0x38;
	[tilespmem:$0x19190] =	vst v63  }
0x69: {  	_ =	swait.ge [sflag:s8], $0x6400  }
0x6a: {  	[sflag:s8] =	ssyncset.done $0x0  }
0x6b: {  	s12 =	simm.s32 $0x0;
	s14 =	rddreg [dreg:$0x7];
	[sflag:s8] =	ssyncadd.s32 $0xFFFF9C00  }
0x6c: {  	[tilespmem:s12], [sflag:$0x4] =	stream.linear.gather [hbm4b:s14+s12], $0x190, $0x38;
	[tilespmem:$0x19190] =	vst v63  }
0x6d: {  	_ =	swait.ge [sflag:s5], $0x190  }
0x6e: {  	[sflag:s5] =	ssyncset.done $0x0  }
0x6f: {  	s11 =	simm.s32 $0x190;
	[sflag:s5] =	ssyncadd.s32 $0xFFFFFE70  }
0x70: {  	[tilespmem:s11], [sflag:$0x1] =	stream.indirect.gather [hbm4b:s3+s11], $0x80, s12, s11, $0xb8;
	[tilespmem:$0x19190] =	vst v63  }
0x71: {  	_ =	swait.ge [sflag:s6], $0xC800  }
0x72: {  	s13 =	simm.s32 $0x210;
	[sflag:s6] =	ssyncset.done $0x0  }
0x73: {  	s14 =	sadd.s32 $0x0, s22;
	s12 =	simm.s32 $0x8;
	[sflag:s6] =	ssyncadd.s32 $0xFFFF3800  }
.LBB2_10:
0x74: {  	[hbm4b:s14+s17] =	stream.linear.scatter [tilespmem:s11], [sflag:$0x2], $0x40, $0x38;
	[tilespmem:$0x19190] =	vst v63  }
0x75: {  	s14 =	smov.u32 s12;
	s11 =	smov.u32 s13;
	p0 =	sne.s32 s12, $0xC78  }
.Ltmp4:
0x76: {  	s12 =	sadd.s32 $0x8, s12;
	(pc) =	sbr.rel @p0 .LBB2_10-.Ltmp4, $2  }
0x77: {  	_ =	sdelay $0x2  }
0x78: {  	s13 =	sadd.s32 $0x80, s13;
	s14 =	sadd.s32 s14, s22  }
0x79: {  	[hbm4b:s14+s17] =	stream.linear.scatter [tilespmem:s11], [sflag:$0x2], $0x40, $0x38;
	[tilespmem:$0x19190] =	vst v63  }
0x7a: {  	_ =	swait.ge [sflag:s9], $0x6400  }
0x7b: {  	[sflag:s9] =	ssyncset.done $0x0  }
0x7c: {  	s12 =	simm.s32 $0x0;
	s14 =	rddreg [dreg:$0x8];
	[sflag:s9] =	ssyncadd.s32 $0xFFFF9C00  }
0x7d: {  	[tilespmem:s12], [sflag:$0x4] =	stream.linear.gather [hbm4b:s14+s12], $0x190, $0x38;
	[tilespmem:$0x19190] =	vst v63  }
0x7e: {  	_ =	swait.ge [sflag:s5], $0x190  }
0x7f: {  	[sflag:s5] =	ssyncset.done $0x0  }
0x80: {  	s11 =	simm.s32 $0xC990;
	[sflag:s5] =	ssyncadd.s32 $0xFFFFFE70  }
0x81: {  	[tilespmem:s11], [sflag:$0x1] =	stream.indirect.gather [hbm4b:s3+s7], $0x80, s12, s7, $0xb8;
	[tilespmem:$0x19190] =	vst v63  }
0x82: {  	_ =	swait.ge [sflag:s6], $0xC800  }
0x83: {  	s13 =	simm.s32 $0xCA10;
	[sflag:s6] =	ssyncset.done $0x0  }
0x84: {  	s14 =	sadd.s32 $0x0, s23;
	s12 =	simm.s32 $0x8;
	[sflag:s6] =	ssyncadd.s32 $0xFFFF3800  }
.LBB2_12:
0x85: {  	[hbm4b:s14+s17] =	stream.linear.scatter [tilespmem:s11], [sflag:$0x3], $0x40, $0x38;
	[tilespmem:$0x19190] =	vst v63  }
0x86: {  	s14 =	smov.u32 s12;
	s11 =	smov.u32 s13;
	p0 =	sne.s32 s12, $0xC78  }
.Ltmp5:
0x87: {  	s12 =	sadd.s32 $0x8, s12;
	(pc) =	sbr.rel @p0 .LBB2_12-.Ltmp5, $2  }
0x88: {  	_ =	sdelay $0x2  }
0x89: {  	s13 =	sadd.s32 $0x80, s13;
	s14 =	sadd.s32 s14, s23  }
0x8a: {  	[hbm4b:s14+s17] =	stream.linear.scatter [tilespmem:s11], [sflag:$0x3], $0x40, $0x38;
	[tilespmem:$0x19190] =	vst v63  }
0x8b: {  	_ =	swait.ge [sflag:s8], $0x6400  }
0x8c: {  	[sflag:s8] =	ssyncset.done $0x0  }
0x8d: {  	s12 =	simm.s32 $0x0;
	s14 =	rddreg [dreg:$0x9];
	[sflag:s8] =	ssyncadd.s32 $0xFFFF9C00  }
0x8e: {  	[tilespmem:s12], [sflag:$0x4] =	stream.linear.gather [hbm4b:s14+s12], $0x190, $0x38;
	[tilespmem:$0x19190] =	vst v63  }
0x8f: {  	_ =	swait.ge [sflag:s5], $0x190  }
0x90: {  	[sflag:s5] =	ssyncset.done $0x0  }
0x91: {  	s11 =	simm.s32 $0x190;
	[sflag:s5] =	ssyncadd.s32 $0xFFFFFE70  }
0x92: {  	[tilespmem:s11], [sflag:$0x1] =	stream.indirect.gather [hbm4b:s3+s11], $0x80, s12, s11, $0xb8;
	[tilespmem:$0x19190] =	vst v63  }
0x93: {  	_ =	swait.ge [sflag:s6], $0xC800  }
0x94: {  	s13 =	simm.s32 $0x210;
	[sflag:s6] =	ssyncset.done $0x0  }
0x95: {  	s14 =	sadd.s32 $0x0, s24;
	s12 =	simm.s32 $0x8;
	[sflag:s6] =	ssyncadd.s32 $0xFFFF3800  }
.LBB2_14:
0x96: {  	[hbm4b:s14+s17] =	stream.linear.scatter [tilespmem:s11], [sflag:$0x2], $0x40, $0x38;
	[tilespmem:$0x19190] =	vst v63  }
0x97: {  	s14 =	smov.u32 s12;
	s11 =	smov.u32 s13;
	p0 =	sne.s32 s12, $0xC78  }
.Ltmp6:
0x98: {  	s12 =	sadd.s32 $0x8, s12;
	(pc) =	sbr.rel @p0 .LBB2_14-.Ltmp6, $2  }
0x99: {  	_ =	sdelay $0x2  }
0x9a: {  	s13 =	sadd.s32 $0x80, s13;
	s14 =	sadd.s32 s14, s24  }
0x9b: {  	[hbm4b:s14+s17] =	stream.linear.scatter [tilespmem:s11], [sflag:$0x2], $0x40, $0x38;
	[tilespmem:$0x19190] =	vst v63  }
0x9c: {  	_ =	swait.ge [sflag:s9], $0x6400  }
0x9d: {  	[sflag:s9] =	ssyncset.done $0x0  }
0x9e: {  	s12 =	simm.s32 $0x0;
	s14 =	rddreg [dreg:$0xa];
	[sflag:s9] =	ssyncadd.s32 $0xFFFF9C00  }
0x9f: {  	[tilespmem:s12], [sflag:$0x4] =	stream.linear.gather [hbm4b:s14+s12], $0x190, $0x38;
	[tilespmem:$0x19190] =	vst v63  }
0xa0: {  	_ =	swait.ge [sflag:s5], $0x190  }
0xa1: {  	[sflag:s5] =	ssyncset.done $0x0  }
0xa2: {  	s11 =	simm.s32 $0xC990;
	[sflag:s5] =	ssyncadd.s32 $0xFFFFFE70  }
0xa3: {  	[tilespmem:s11], [sflag:$0x1] =	stream.indirect.gather [hbm4b:s3+s7], $0x80, s12, s7, $0xb8;
	[tilespmem:$0x19190] =	vst v63  }
0xa4: {  	_ =	swait.ge [sflag:s6], $0xC800  }
0xa5: {  	s13 =	simm.s32 $0xCA10;
	[sflag:s6] =	ssyncset.done $0x0  }
0xa6: {  	s14 =	sadd.s32 $0x0, s25;
	s12 =	simm.s32 $0x8;
	[sflag:s6] =	ssyncadd.s32 $0xFFFF3800  }
.LBB2_16:
0xa7: {  	[hbm4b:s14+s17] =	stream.linear.scatter [tilespmem:s11], [sflag:$0x3], $0x40, $0x38;
	[tilespmem:$0x19190] =	vst v63  }
0xa8: {  	s14 =	smov.u32 s12;
	s11 =	smov.u32 s13;
	p0 =	sne.s32 s12, $0xC78  }
.Ltmp7:
0xa9: {  	s12 =	sadd.s32 $0x8, s12;
	(pc) =	sbr.rel @p0 .LBB2_16-.Ltmp7, $2  }
0xaa: {  	_ =	sdelay $0x2  }
0xab: {  	s13 =	sadd.s32 $0x80, s13;
	s14 =	sadd.s32 s14, s25  }
0xac: {  	[hbm4b:s14+s17] =	stream.linear.scatter [tilespmem:s11], [sflag:$0x3], $0x40, $0x38;
	[tilespmem:$0x19190] =	vst v63  }
0xad: {  	_ =	swait.ge [sflag:s8], $0x6400  }
0xae: {  	[sflag:s8] =	ssyncset.done $0x0  }
0xaf: {  	s12 =	simm.s32 $0x0;
	s14 =	rddreg [dreg:$0xb];
	[sflag:s8] =	ssyncadd.s32 $0xFFFF9C00  }
0xb0: {  	[tilespmem:s12], [sflag:$0x4] =	stream.linear.gather [hbm4b:s14+s12], $0x190, $0x38;
	[tilespmem:$0x19190] =	vst v63  }
0xb1: {  	_ =	swait.ge [sflag:s5], $0x190  }
0xb2: {  	[sflag:s5] =	ssyncset.done $0x0  }
0xb3: {  	s11 =	simm.s32 $0x190;
	[sflag:s5] =	ssyncadd.s32 $0xFFFFFE70  }
0xb4: {  	[tilespmem:s11], [sflag:$0x1] =	stream.indirect.gather [hbm4b:s3+s11], $0x80, s12, s11, $0xb8;
	[tilespmem:$0x19190] =	vst v63  }
0xb5: {  	_ =	swait.ge [sflag:s6], $0xC800  }
0xb6: {  	s13 =	simm.s32 $0x210;
	[sflag:s6] =	ssyncset.done $0x0  }
0xb7: {  	s14 =	sadd.s32 $0x0, s26;
	s12 =	simm.s32 $0x8;
	[sflag:s6] =	ssyncadd.s32 $0xFFFF3800  }
.LBB2_18:
0xb8: {  	[hbm4b:s14+s17] =	stream.linear.scatter [tilespmem:s11], [sflag:$0x2], $0x40, $0x38;
	[tilespmem:$0x19190] =	vst v63  }
0xb9: {  	s14 =	smov.u32 s12;
	s11 =	smov.u32 s13;
	p0 =	sne.s32 s12, $0xC78  }
.Ltmp8:
0xba: {  	s12 =	sadd.s32 $0x8, s12;
	(pc) =	sbr.rel @p0 .LBB2_18-.Ltmp8, $2  }
0xbb: {  	_ =	sdelay $0x2  }
0xbc: {  	s13 =	sadd.s32 $0x80, s13;
	s14 =	sadd.s32 s14, s26  }
0xbd: {  	[hbm4b:s14+s17] =	stream.linear.scatter [tilespmem:s11], [sflag:$0x2], $0x40, $0x38;
	[tilespmem:$0x19190] =	vst v63  }
0xbe: {  	_ =	swait.ge [sflag:s9], $0x6400  }
0xbf: {  	[sflag:s9] =	ssyncset.done $0x0  }
0xc0: {  	s12 =	simm.s32 $0x0;
	s14 =	rddreg [dreg:$0xc];
	[sflag:s9] =	ssyncadd.s32 $0xFFFF9C00  }
0xc1: {  	[tilespmem:s12], [sflag:$0x4] =	stream.linear.gather [hbm4b:s14+s12], $0x190, $0x38;
	[tilespmem:$0x19190] =	vst v63  }
0xc2: {  	_ =	swait.ge [sflag:s5], $0x190  }
0xc3: {  	[sflag:s5] =	ssyncset.done $0x0  }
0xc4: {  	s11 =	simm.s32 $0xC990;
	[sflag:s5] =	ssyncadd.s32 $0xFFFFFE70  }
0xc5: {  	[tilespmem:s11], [sflag:$0x1] =	stream.indirect.gather [hbm4b:s3+s7], $0x80, s12, s7, $0xb8;
	[tilespmem:$0x19190] =	vst v63  }
0xc6: {  	_ =	swait.ge [sflag:s6], $0xC800  }
0xc7: {  	s13 =	simm.s32 $0xCA10;
	[sflag:s6] =	ssyncset.done $0x0  }
0xc8: {  	s14 =	sadd.s32 $0x0, s28;
	s12 =	simm.s32 $0x8;
	[sflag:s6] =	ssyncadd.s32 $0xFFFF3800  }
.LBB2_20:
0xc9: {  	[hbm4b:s14+s17] =	stream.linear.scatter [tilespmem:s11], [sflag:$0x3], $0x40, $0x38;
	[tilespmem:$0x19190] =	vst v63  }
0xca: {  	s14 =	smov.u32 s12;
	s11 =	smov.u32 s13;
	p0 =	sne.s32 s12, $0xC78  }
.Ltmp9:
0xcb: {  	s12 =	sadd.s32 $0x8, s12;
	(pc) =	sbr.rel @p0 .LBB2_20-.Ltmp9, $2  }
0xcc: {  	_ =	sdelay $0x2  }
0xcd: {  	s13 =	sadd.s32 $0x80, s13;
	s14 =	sadd.s32 s14, s28  }
0xce: {  	[hbm4b:s14+s17] =	stream.linear.scatter [tilespmem:s11], [sflag:$0x3], $0x40, $0x38;
	[tilespmem:$0x19190] =	vst v63  }
0xcf: {  	_ =	swait.ge [sflag:s8], $0x6400  }
0xd0: {  	[sflag:s8] =	ssyncset.done $0x0  }
0xd1: {  	s12 =	simm.s32 $0x0;
	s14 =	rddreg [dreg:$0xd];
	[sflag:s8] =	ssyncadd.s32 $0xFFFF9C00  }
0xd2: {  	[tilespmem:s12], [sflag:$0x4] =	stream.linear.gather [hbm4b:s14+s12], $0x190, $0x38;
	[tilespmem:$0x19190] =	vst v63  }
0xd3: {  	_ =	swait.ge [sflag:s5], $0x190  }
0xd4: {  	[sflag:s5] =	ssyncset.done $0x0  }
0xd5: {  	s11 =	simm.s32 $0x190;
	[sflag:s5] =	ssyncadd.s32 $0xFFFFFE70  }
0xd6: {  	[tilespmem:s11], [sflag:$0x1] =	stream.indirect.gather [hbm4b:s3+s11], $0x80, s12, s11, $0xb8;
	[tilespmem:$0x19190] =	vst v63  }
0xd7: {  	_ =	swait.ge [sflag:s6], $0xC800  }
0xd8: {  	s13 =	simm.s32 $0x210;
	[sflag:s6] =	ssyncset.done $0x0  }
0xd9: {  	s14 =	sadd.s32 $0x0, s29;
	s12 =	simm.s32 $0x8;
	[sflag:s6] =	ssyncadd.s32 $0xFFFF3800  }
.LBB2_22:
0xda: {  	[hbm4b:s14+s17] =	stream.linear.scatter [tilespmem:s11], [sflag:$0x2], $0x40, $0x38;
	[tilespmem:$0x19190] =	vst v63  }
0xdb: {  	s14 =	smov.u32 s12;
	s11 =	smov.u32 s13;
	p0 =	sne.s32 s12, $0xC78  }
.Ltmp10:
0xdc: {  	s12 =	sadd.s32 $0x8, s12;
	(pc) =	sbr.rel @p0 .LBB2_22-.Ltmp10, $2  }
0xdd: {  	_ =	sdelay $0x2  }
0xde: {  	s13 =	sadd.s32 $0x80, s13;
	s14 =	sadd.s32 s14, s29  }
0xdf: {  	[hbm4b:s14+s17] =	stream.linear.scatter [tilespmem:s11], [sflag:$0x2], $0x40, $0x38;
	[tilespmem:$0x19190] =	vst v63  }
0xe0: {  	_ =	swait.ge [sflag:s9], $0x6400  }
0xe1: {  	[sflag:s9] =	ssyncset.done $0x0  }
0xe2: {  	s12 =	simm.s32 $0x0;
	s14 =	rddreg [dreg:$0xe];
	[sflag:s9] =	ssyncadd.s32 $0xFFFF9C00  }
0xe3: {  	[tilespmem:s12], [sflag:$0x4] =	stream.linear.gather [hbm4b:s14+s12], $0x190, $0x38;
	[tilespmem:$0x19190] =	vst v63  }
0xe4: {  	_ =	swait.ge [sflag:s5], $0x190  }
0xe5: {  	[sflag:s5] =	ssyncset.done $0x0  }
0xe6: {  	s11 =	simm.s32 $0xC990;
	[sflag:s5] =	ssyncadd.s32 $0xFFFFFE70  }
0xe7: {  	[tilespmem:s11], [sflag:$0x1] =	stream.indirect.gather [hbm4b:s3+s7], $0x80, s12, s7, $0xb8;
	[tilespmem:$0x19190] =	vst v63  }
0xe8: {  	_ =	swait.ge [sflag:s6], $0xC800  }
0xe9: {  	s13 =	simm.s32 $0xCA10;
	[sflag:s6] =	ssyncset.done $0x0  }
0xea: {  	s14 =	sadd.s32 $0x0, s30;
	s12 =	simm.s32 $0x8;
	[sflag:s6] =	ssyncadd.s32 $0xFFFF3800  }
.LBB2_24:
0xeb: {  	[hbm4b:s14+s17] =	stream.linear.scatter [tilespmem:s11], [sflag:$0x3], $0x40, $0x38;
	[tilespmem:$0x19190] =	vst v63  }
0xec: {  	s14 =	smov.u32 s12;
	s11 =	smov.u32 s13;
	p0 =	sne.s32 s12, $0xC78  }
.Ltmp11:
0xed: {  	s12 =	sadd.s32 $0x8, s12;
	(pc) =	sbr.rel @p0 .LBB2_24-.Ltmp11, $2  }
0xee: {  	_ =	sdelay $0x2  }
0xef: {  	s13 =	sadd.s32 $0x80, s13;
	s14 =	sadd.s32 s14, s30  }
0xf0: {  	[hbm4b:s14+s17] =	stream.linear.scatter [tilespmem:s11], [sflag:$0x3], $0x40, $0x38;
	[tilespmem:$0x19190] =	vst v63  }
0xf1: {  	_ =	swait.ge [sflag:s8], $0x6400  }
0xf2: {  	[sflag:s8] =	ssyncset.done $0x0  }
0xf3: {  	s12 =	simm.s32 $0x0;
	s14 =	rddreg [dreg:$0xf];
	[sflag:s8] =	ssyncadd.s32 $0xFFFF9C00  }
0xf4: {  	[tilespmem:s12], [sflag:$0x4] =	stream.linear.gather [hbm4b:s14+s12], $0x190, $0x38;
	[tilespmem:$0x19190] =	vst v63  }
0xf5: {  	_ =	swait.ge [sflag:s5], $0x190  }
0xf6: {  	[sflag:s5] =	ssyncset.done $0x0  }
0xf7: {  	s11 =	simm.s32 $0x190;
	[sflag:s5] =	ssyncadd.s32 $0xFFFFFE70  }
0xf8: {  	[tilespmem:s11], [sflag:$0x1] =	stream.indirect.gather [hbm4b:s3+s11], $0x80, s12, s11, $0xb8;
	[tilespmem:$0x19190] =	vst v63  }
0xf9: {  	_ =	swait.ge [sflag:s6], $0xC800  }
0xfa: {  	s13 =	simm.s32 $0x210;
	[sflag:s6] =	ssyncset.done $0x0  }
0xfb: {  	s14 =	sadd.s32 $0x0, s31;
	s12 =	simm.s32 $0x8;
	[sflag:s6] =	ssyncadd.s32 $0xFFFF3800  }
.LBB2_26:
0xfc: {  	[hbm4b:s14+s17] =	stream.linear.scatter [tilespmem:s11], [sflag:$0x2], $0x40, $0x38;
	[tilespmem:$0x19190] =	vst v63  }
0xfd: {  	s14 =	smov.u32 s12;
	s11 =	smov.u32 s13;
	p0 =	sne.s32 s12, $0xC78  }
.Ltmp12:
0xfe: {  	s12 =	sadd.s32 $0x8, s12;
	(pc) =	sbr.rel @p0 .LBB2_26-.Ltmp12, $2  }
0xff: {  	_ =	sdelay $0x2  }
0x100: {  	s13 =	sadd.s32 $0x80, s13;
	s14 =	sadd.s32 s14, s31  }
0x101: {  	[hbm4b:s14+s17] =	stream.linear.scatter [tilespmem:s11], [sflag:$0x2], $0x40, $0x38;
	[tilespmem:$0x19190] =	vst v63  }
0x102: {  	_ =	swait.ge [sflag:s9], $0x6400  }
0x103: {  	[sflag:s9] =	ssyncset.done $0x0  }
0x104: {  	s12 =	simm.s32 $0x0;
	s14 =	rddreg [dreg:$0x10];
	[sflag:s9] =	ssyncadd.s32 $0xFFFF9C00  }
0x105: {  	[tilespmem:s12], [sflag:$0x4] =	stream.linear.gather [hbm4b:s14+s12], $0x190, $0x38;
	[tilespmem:$0x19190] =	vst v63  }
0x106: {  	_ =	swait.ge [sflag:s5], $0x190  }
0x107: {  	[sflag:s5] =	ssyncset.done $0x0  }
0x108: {  	s11 =	simm.s32 $0xC990;
	[sflag:s5] =	ssyncadd.s32 $0xFFFFFE70  }
0x109: {  	[tilespmem:s11], [sflag:$0x1] =	stream.indirect.gather [hbm4b:s3+s7], $0x80, s12, s7, $0xb8;
	[tilespmem:$0x19190] =	vst v63  }
0x10a: {  	_ =	swait.ge [sflag:s6], $0xC800  }
0x10b: {  	s13 =	simm.s32 $0xCA10;
	[sflag:s6] =	ssyncset.done $0x0  }
0x10c: {  	s14 =	sadd.s32 $0x0, s0;
	s12 =	simm.s32 $0x8;
	[sflag:s6] =	ssyncadd.s32 $0xFFFF3800  }
.LBB2_28:
0x10d: {  	[hbm4b:s14+s17] =	stream.linear.scatter [tilespmem:s11], [sflag:$0x3], $0x40, $0x38;
	[tilespmem:$0x19190] =	vst v63  }
0x10e: {  	s14 =	smov.u32 s12;
	s11 =	smov.u32 s13;
	p0 =	sne.s32 s12, $0xC78  }
.Ltmp13:
0x10f: {  	s12 =	sadd.s32 $0x8, s12;
	(pc) =	sbr.rel @p0 .LBB2_28-.Ltmp13, $2  }
0x110: {  	_ =	sdelay $0x2  }
0x111: {  	s13 =	sadd.s32 $0x80, s13;
	s14 =	sadd.s32 s14, s0  }
0x112: {  	[hbm4b:s14+s17] =	stream.linear.scatter [tilespmem:s11], [sflag:$0x3], $0x40, $0x38;
	[tilespmem:$0x19190] =	vst v63  }
0x113: {  	_ =	swait.ge [sflag:s8], $0x6400  }
0x114: {  	[sflag:s8] =	ssyncset.done $0x0  }
0x115: {  	s12 =	simm.s32 $0x0;
	[sflag:s8] =	ssyncadd.s32 $0xFFFF9C00  }
0x116: {  	[tilespmem:s12], [sflag:$0x4] =	stream.linear.gather [hbm4b:s15+s12], $0x190, $0x38;
	[tilespmem:$0x19190] =	vst v63  }
0x117: {  	_ =	swait.ge [sflag:s5], $0x190  }
0x118: {  	[sflag:s5] =	ssyncset.done $0x0  }
0x119: {  	s11 =	simm.s32 $0x190;
	[sflag:s5] =	ssyncadd.s32 $0xFFFFFE70  }
0x11a: {  	[tilespmem:s11], [sflag:$0x1] =	stream.indirect.gather [hbm4b:s3+s11], $0x80, s12, s11, $0xb8;
	[tilespmem:$0x19190] =	vst v63  }
0x11b: {  	_ =	swait.ge [sflag:s6], $0xC800  }
0x11c: {  	s14 =	sadd.s32 $0x0, s1;
	[sflag:s6] =	ssyncset.done $0x0  }
0x11d: {  	s13 =	simm.s32 $0x210;
	s12 =	simm.s32 $0x8;
	[sflag:s6] =	ssyncadd.s32 $0xFFFF3800  }
.LBB2_30:
0x11e: {  	[hbm4b:s14+s17] =	stream.linear.scatter [tilespmem:s11], [sflag:$0x2], $0x40, $0x38;
	[tilespmem:$0x19190] =	vst v63  }
0x11f: {  	s14 =	smov.u32 s12;
	s11 =	smov.u32 s13;
	p0 =	sne.s32 s12, $0xC78  }
.Ltmp14:
0x120: {  	s12 =	sadd.s32 $0x8, s12;
	(pc) =	sbr.rel @p0 .LBB2_30-.Ltmp14, $2  }
0x121: {  	_ =	sdelay $0x2  }
0x122: {  	s13 =	sadd.s32 $0x80, s13;
	s14 =	sadd.s32 s14, s1  }
0x123: {  	[hbm4b:s14+s17] =	stream.linear.scatter [tilespmem:s11], [sflag:$0x2], $0x40, $0x38;
	[tilespmem:$0x19190] =	vst v63  }
0x124: {  	_ =	swait.ge [sflag:s9], $0x6400  }
0x125: {  	[sflag:s9] =	ssyncset.done $0x0  }
0x126: {  	s12 =	simm.s32 $0x0;
	[sflag:s9] =	ssyncadd.s32 $0xFFFF9C00  }
0x127: {  	[tilespmem:s12], [sflag:$0x4] =	stream.linear.gather [hbm4b:s16+s12], $0x190, $0x38;
	[tilespmem:$0x19190] =	vst v63  }
0x128: {  	_ =	swait.ge [sflag:s5], $0x190  }
0x129: {  	[sflag:s5] =	ssyncset.done $0x0  }
0x12a: {  	s11 =	simm.s32 $0xC990;
	[sflag:s5] =	ssyncadd.s32 $0xFFFFFE70  }
0x12b: {  	[tilespmem:s11], [sflag:$0x1] =	stream.indirect.gather [hbm4b:s3+s7], $0x80, s12, s7, $0xb8;
	[tilespmem:$0x19190] =	vst v63  }
0x12c: {  	_ =	swait.ge [sflag:s6], $0xC800  }
0x12d: {  	s14 =	sadd.s32 $0x0, s2;
	[sflag:s6] =	ssyncset.done $0x0  }
0x12e: {  	s13 =	simm.s32 $0xCA10;
	s12 =	simm.s32 $0x8;
	[sflag:s6] =	ssyncadd.s32 $0xFFFF3800  }
.LBB2_32:
0x12f: {  	[hbm4b:s14+s17] =	stream.linear.scatter [tilespmem:s11], [sflag:$0x3], $0x40, $0x38;
	[tilespmem:$0x19190] =	vst v63  }
0x130: {  	s14 =	smov.u32 s12;
	s11 =	smov.u32 s13;
	p0 =	sne.s32 s12, $0xC78  }
.Ltmp15:
0x131: {  	s12 =	sadd.s32 $0x8, s12;
	(pc) =	sbr.rel @p0 .LBB2_32-.Ltmp15, $2  }
0x132: {  	_ =	sdelay $0x2  }
0x133: {  	s13 =	sadd.s32 $0x80, s13;
	s14 =	sadd.s32 s14, s2  }
0x134: {  	[hbm4b:s14+s17] =	stream.linear.scatter [tilespmem:s11], [sflag:$0x3], $0x40, $0x38;
	[tilespmem:$0x19190] =	vst v63  }
0x135: {  	s10 =	sadd.s32 $0x1, s10  }
0x136: {  	_ =	swait.ge [sflag:s8], $0x6400;
	p0 =	sne.s32 s10, s4  }
.Ltmp16:
0x137: {  	[sflag:s8] =	ssyncset.done $0x0;
	(pc) =	sbr.rel @p0 .LBB2_1-.Ltmp16, $4  }
0x138: {  	[sflag:s8] =	ssyncadd.s32 $0xFFFF9C00  }
0x139: {  	_ =	swait.ge [sflag:s9], $0x6400  }
0x13a: {  	[sflag:s9] =	ssyncset.done $0x0  }
0x13b: {  	[sflag:s9] =	ssyncadd.s32 $0xFFFF9C00  }
0x13c: {  	_ =	sfence.sel $0x180000  }
0x13d: {  	[bflag:$0x0] =	sbarrier.arrive $0xFFFF  }
0x13e: {  	_ =	strace $0x90000047  }
0x13f: {  	s0 =	stileid.u32;
	[bflag:$0x2] =	sbarrier.arrive $0xFFFF  }
0x140: {  	p0 =	sne.s32 s0, $0x0;
	s0 =	rddreg [dreg:$0x2]  }
0x141: {  	s0 =	sadd.s32 @!p0 $0x100000, s0  }
0x142: {  	[sflag:s0] =	ssyncadd.tile.s32 @!p0 $0x1;
	_ =	shalt  }
.Lfunc_end2:
_tile_overlayer_lowered:
.L_overlay_start_2:
0x143: {  	(tag) =	ssettag $0x2  }
0x144: {  	s0 =	rddreg [dreg:$0x0];
	s2 =	stileid.u32  }
0x145: {  	s1 =	rddreg [dreg:$0x1];
	p0 =	sne.s32 s2, $0x0  }
0x146: {  	s3 =	rddreg [dreg:$0x2];
	[bflag:$0x3] =	sbarrier.arrive $0xFFFF;
	s2 =	simm.s32 @!p0 $0x1C04  }
0x147: {  	[timem:s3], [sflag:s2] =	dma.local @!p0 [hbm:s0], s1  }
0x148: {  	s0 =	simm.s32 @!p0 $0x4  }
0x149: {  	_ =	swait.ge @!p0 [sflag:s0], s1  }
0x14a: {  	s1 =	ssub.s32 @!p0 $0x0, s1;
	[sflag:s0] =	ssyncset.done @!p0 $0x0  }
0x14b: {  	[sflag:s0] =	ssyncadd.s32 @!p0 s1  }
0x14c: {  	[bflag:$0x3] =	sbarrier.arrive $0xFFFF  }
0x14d: {  	_ =	shalt  }

// kernel: sparse-core-data-format-call.cloned.1.call-start
scs
called_computation_lowered:
.L_overlay_start_0:
0x0: {  	s2 =	sld [smem:$0x3FD9]  }
0x1: {  	s3 =	sld [smem:$0x3FFE];
	_ =	sdelay $0x1  }
0x2: {  	s1 =	srdreg.scid  }
0x3: {  	s0 =	sand.u32 $0x1, s1  }
0x4: {  	s18 =	sshll.u32 s0, $0xA;
	s2 =	sadd.s32 s3, s2  }
0x5: {  	s2 =	sadd.s32 s2, s18  }
0x6: {  	[smem:$0x3FBF] =	sst s2  }
0x7: {  	_ = 	snop  }
0x8: {  	s2 =	sld [smem:$0x3FD0];
	(tm) =	ssettm $0x1  }
0x9: {  	s19 =	sld [smem:$0x3FFB];
	_ =	sdelay $0x3  }
0xa: {  	_ =	strace s19  }
0xb: {  	s3 =	sld [smem:$0x3FFC];
	_ =	sdelay $0x3  }
0xc: {  	_ =	strace s3  }
0xd: {  	s3 =	sld [smem:$0x3FFD];
	_ =	sdelay $0x3  }
0xe: {  	_ =	strace s3  }
0xf: {  	_ =	strace $0x8FFFFFFF  }
0x10: {  	s20 =	sld [smem:$0x3FDB];
	_ =	sdelay $0x1  }
0x11: {  	s4 =	simm.s32 $_scs_section_size  }
0x12: {  	s5 =	simm.s32 $_size__tile_overlayer_lowered;
	s6 =	simm.s32 $_tile_overlayer_lowered  }
0x13: {  	s23 =	simm.s32 $0x1BFF;
	s22 =	sshll.u32 s6, $0x1;
	s3 =	sadd.s32 s4, s20  }
0x14: {  	s7 =	simm.s32 $0x0;
	s21 =	sshll.u32 s5, $0x1;
	s5 =	sadd.s32 s22, s3  }
0x15: {  	[timem:s7], [sflag:s23] =	dma.local [hbm:s5], s21  }
0x16: {  	_ =	swait.ge [sflag:s23], s21  }
0x17: {  	s4 =	ssub.s32 $0x0, s21;
	[sflag:s23] =	ssyncset.done $0x0  }
0x18: {  	[sflag:s23] =	ssyncadd.s32 s4;
	_ =	sdelay $0x1  }
0x19: {  	s24 =	simm.s32 $0x1B8B  }
0x1a: {  	_ =	swait.ge [sflag:s24], $0x1  }
0x1b: {  	[sflag:s24] =	ssyncset.done $0x0  }
0x1c: {  	s26 =	simm.s32 $0x1B8E;
	s25 =	sld [smem:$0x3FFE];
	[sflag:s24] =	ssyncadd.s32 $0xFFFFFFFF  }
0x1d: {  	s27 =	simm.s32 $execute0_lowered;
	[smem:$0x3FD2] =	sst s26  }
0x1e: {  	s5 =	sshll.u32 s27, $0x1;
	_ =	strace $0x80000049;
	[dreg:$0x1] =	wrdreg $0xFFFFFFFF  }
0x1f: {  	s28 =	simm.s32 $_size_execute0_lowered;
	s3 =	sadd.s32 s3, s5;
	[dreg:$0x0] =	wrdreg $0x0  }
0x20: {  	s5 =	sshll.u32 s28, $0x1;
	[dreg:$0x2] =	wrdreg s3  }
0x21: {  	[dreg:$0x3] =	wrdreg s5  }
0x22: {  	[dreg:$0x4] =	wrdreg $0xC0  }
0x23: {  	_ =	task [dreg:s7], $0x5FFFF  }
0x24: {  	[dreg:$0x1] =	wrdreg $0xFFFFFFFF  }
0x25: {  	[dreg:$0x0] =	wrdreg $0x60  }
0x26: {  	[dreg:$0x2] =	wrdreg s25  }
0x27: {  	[dreg:$0x3] =	wrdreg s2  }
0x28: {  	[dreg:$0x4] =	wrdreg $0x9  }
0x29: {  	_ =	task.clear_ibuf [dreg:s7], $0x5FFFF;
	_ =	strace $0x90000049  }
0x2a: {  	s29 =	simm.s32 $0x9;
	_ =	strace $0x8000004B  }
0x2b: {  	_ =	swait.ge [sflag:s29], $0x1  }
0x2c: {  	[sflag:s29] =	ssyncadd.s32 $0xFFFFFFFF  }
0x2d: {  	_ =	strace $0x9000004B  }
0x2e: {  	_ =	sfence  }
0x2f: {  	s30 =	sld [smem:$0x0];
	_ =	sdelay $0x2  }
0x30: {  	s31 =	sshll.u32 s1, $0xD;
	s1 =	sshrl.u32 s1, $0x2  }
0x31: {  	s3 =	sand.u32 $0x4000, s31;
	s1 =	sadd.s32 s1, s30  }
0x32: {  	s0 =	sor.u32 s3, s0;
	s1 =	sshll.u32 s1, $0x11  }
0x33: {  	s0 =	sor.u32 s1, s0  }
0x34: {  	s0 =	sadd.s32 $0x8F2B, s0  }
0x35: {  	[sflag:s0] =	ssyncadd.remote.s32 $0x1  }
0x36: {  	_ =	sfence.sel $0xFFFF  }
0x37: {  	[dreg:$0x0] =	wrdreg $0xFFFFFFFF;
	(pc) =	sbr.abs _section_cstart, $3  }
0x38: {  	[dreg:$0x1] =	wrdreg $0xFFFFFFFF  }
0x39: {  	_ =	task.clear_ibuf [dreg:s7], $0x2FFFF;
	_ =	strace $0x9FFFFFFF  }
0x3a: {  	(tm) =	ssettm $0x7FFFFFFF  }
0x3b: {  	_ =	shalt  }
tec
execute0_lowered:
.L_overlay_start_1:
0x0: {  	(tag) =	ssettag $0x1  }
0x1: {  	s0 =	srdreg.scid  }
0x2: {  	s1 =	sshll.u32 s0, $0x4  }
0x3: {  	s0 =	stileid.u32;
	s1 =	sand.u32 $0x10, s1  }
0x4: {  	s1 =	sor.u32 s0, s1  }
0x5: {  	s6 =	rddreg [dreg:$0x0];
	s4 =	simm.s32 $0x1;
	s2 =	sshll.u32 s1, $0x7  }
0x6: {  	s7 =	simm.s32 $0x2;
	s12 =	simm.s32 $0x0;
	s1 =	ssub.s32 $0x1000, s2  }
0x7: {  	s8 =	simm.s32 $0x8000;
	s13 =	simm.s32 $0x0;
	s3 =	sand.u32 $0xF80, s1  }
0x8: {  	s9 =	simm.s32 $0x0;
	s5 =	sshrl.u32 s1, $0xC;
	p0 =	sne.s32 s3, $0x0  }
.Ltmp0:
0x9: {  	s1 =	rddreg [dreg:$0x2];
	s4 =	simm.s32 @!p0 $0x0;
	(pc) =	sbr.rel .LBB1_1-.Ltmp0, $4  }
0xa: {  	s11 =	simm.s32 $0x0;
	s3 =	rddreg [dreg:$0x1];
	s5 =	sadd.s32 s4, s5  }
0xb: {  	_ =	strace $0x8000004A;
	s4 =	simm.s32 $0x1;
	s5 =	smul.u32 $0x32, s5  }
0xc: {  	s6 =	sadd.s32 $0x1800, s6;
	s10 =	smov.u32 s2;
	[sflag:s4] =	ssyncpa.u1 $0x0  }
0xd: {  	p0 =	por $0x0, $0x0;
	[sflag:s7] =	ssyncpa.u1 $0x0;
	s7 =	sor.u32 $0x1, s5  }
.LBB1_4:
0xe: {  	s16 =	sshll.u32 s13, $0x3;
	s17 =	sand.u32 $0x78, s13  }
0xf: {  	s30 =	sand.u32 $0x7E00, s13;
	s12 =	sshll.u32 s12, $0xF;
	s16 =	sand.u32 $0xC00, s16  }
0x10: {  	[tilespmem:s15+$0x810 ss:$0x81] =	vst.msk $0xffff, v2;
	s31 =	sand.u32 $0x7, s13;
	s16 =	sor.u32 s17, s16;
	s17 =	sadd.s32 s3, s30  }
0x11: {  	[tilespmem:s15+$0x1020 ss:$0x81] =	vst.msk $0xffff, v0;
	s13 =	sshll.u32 s31, $0x12;
	s12 =	sadd.s32 s12, s17;
	s16 =	sshrl.u32 s16, $0x3  }
0x12: {  	[tilespmem:s15+$0x0 ss:$0x81] =	vst.msk $0xffff, v1;
	s13 =	sor.u32 $0x400, s13;
	s12 =	sadd.s32 s16, s12  }
0x13: {  	[hbm4b:s12+s13] =	stream.strided.scatter [tilespmem:s14], [sflag:$0x2], $0x2000, s8, s13, $0x20;
	[tilespmem:$0x8080] =	vst v63  }
.LBB1_5:
0x14: {  	s14 =	sadd.s32 $0x1, s9  }
0x15: {  	s12 =	sadd.s32 $0x1000, s10;
	s16 =	smov.u32 s10;
	p2 =	sgt.s32 s14, $0x31  }
0x16: {  	s16 =	smov.u32 @p2 s12  }
0x17: {  	s14 =	simm.s32 @p2 $0x0;
	p2 =	sgt.s32 s16, $0xFFF  }
0x18: {  	s16 =	smov.u32 @p2 s2;
	p2 =	sne.s32 s11, s7  }
.Ltmp1:
0x19: {  	p1 =	slt.u32 s11, $0x2;
	(pc) =	sbr.rel @!p2 .LBB1_6-.Ltmp1, $4  }
0x1a: {  	s15 =	simm.s32 @!p1 $0x2  }
0x1b: {  	s13 =	smov.u32 s10;
	p0 =	por !p0, !p0;
	_ =	swait.ge @!p1 [sflag:s15], $0x2000  }
0x1c: {  	s12 =	smov.u32 s9;
	[sflag:s15] =	ssyncset.done @!p1 $0x0;
	s9 =	smov.u32 s14  }
0x1d: {  	s11 =	sadd.s32 $0x1, s11;
	[sflag:s15] =	ssyncadd.s32 @!p1 $0xFFFFE000;
	s10 =	smov.u32 s16  }
.LBB1_1:
0x1e: {  	p1 =	sge.u32 s11, s5  }
0x1f: {  	s14 =	sand.u32 @!p1 $0x1FFFFFF, s9  }
0x20: {  	s15 =	smulhi.u32 @!p1 $0x4924925, s14;
	_ =	sdelay $0x1  }
0x21: {  	s15 =	smul.u32 @!p1 $0x38, s15  }
0x22: {  	s16 =	sxor.u32 @!p1 $0xFFFFFFFF, s11;
	s17 =	smul.u32 @!p1 $0x380, s10  }
0x23: {  	s31 =	sadd.s32 $0xFFFFFFFF, s11;
	s16 =	sshll.u32 @!p1 s16, $0xD;
	s14 =	ssub.s32 @!p1 s14, s15  }
0x24: {  	s15 =	sand.u32 @!p1 $0x2000, s16;
	s16 =	sadd.s32 @!p1 s6, s17;
	s14 =	sshll.u32 @!p1 s14, $0x4  }
0x25: {  	s17 =	simm.s32 @!p1 $0x1C00;
	s14 =	sadd.s32 @!p1 s14, s16;
	s16 =	simm.s32 @!p1 $0x40  }
0x26: {  	[tilespmem:s15], [sflag:$0x1] =	stream.strided.gather @!p1 [hbm4b:s14+s16], $0x2000, s17, s16, $0x38;
	[tilespmem:$0x8080] =	vst v63  }
0x27: {  	p1 =	sge.u32 s31, s5  }
.Ltmp2:
0x28: {  	_ = 	snop;
	(pc) =	sbr.rel @p1 .LBB1_5-.Ltmp2, $1  }
0x29: {  	_ =	sdelay $0x3  }
0x2a: {  	s14 =	simm.s32 $0x1  }
0x2b: {  	_ =	swait.ge [sflag:s4], $0x2000;
	s14 =	simm.s32 @!p0 $0x0  }
0x2c: {  	[sflag:s4] =	ssyncset.done $0x0;
	s15 =	sshll.u32 s14, $0xD  }
0x2d: {  	[sflag:s4] =	ssyncadd.s32 $0xFFFFE000;
	s18 =	sor.u32 $0x20, s15  }
0x2e: {  	s14 =	smul.u32 $0x8100, s14;
	v3 =	vld [tilespmem:s18+$0x10]  }
0x2f: {  	s30 =	sand.u32 $0x1, s11;
	v2 =	vld [tilespmem:s18+$0xFFFFFFF0]  }
0x30: {  	s15 =	smul.u32 $0x8100, s30;
	s14 =	sshrl.u32 s14, $0x2;
	v0 =	vld [tilespmem:s18+$0x0]  }
0x31: {  	v1 =	vld [tilespmem:s18+$0xFFFFFFE0];
	s16 =	sor.u32 $0x4000, s14  }
0x32: {  	s31 =	sshrl.u32 s15, $0x2;
	s15 =	sadd.s32 $0x0, s16  }
0x33: {  	s17 =	simm.s32 $0x4;
	s18 =	sadd.s32 $0x40, s18;
	s14 =	sor.u32 $0x4000, s31;
	[tilespmem:s15+$0x1830 ss:$0x81] =	vst.msk $0xffff, v3  }
.LBB1_3:
0x34: {  	v3 =	vld [tilespmem:s18+$0x10];
	p1 =	sne.s32 s17, $0x1FC;
	[tilespmem:s15+$0x810 ss:$0x81] =	vst.msk $0xffff, v2;
	s19 =	smov.u32 s17;
	s17 =	sadd.s32 $0x4, s17  }
.Ltmp3:
0x35: {  	v2 =	vld [tilespmem:s18+$0xFFFFFFF0];
	[tilespmem:s15+$0x1020 ss:$0x81] =	vst.msk $0xffff, v0;
	(pc) =	sbr.rel @p1 .LBB1_3-.Ltmp3, $4  }
0x36: {  	v0 =	vld [tilespmem:s18+$0x0];
	[tilespmem:s15+$0x0 ss:$0x81] =	vst.msk $0xffff, v1  }
0x37: {  	s15 =	sshra.s32 s19, $0x2;
	v1 =	vld [tilespmem:s18+$0xFFFFFFE0]  }
0x38: {  	s15 =	sadd.s32 s15, s16  }
0x39: {  	s18 =	sadd.s32 $0x40, s18;
	[tilespmem:s15+$0x1830 ss:$0x81] =	vst.msk $0xffff, v3  }
.Ltmp4:
0x3a: {  	_ = 	snop;
	(pc) =	sbr.rel .LBB1_4-.Ltmp4, $1  }
0x3b: {  	_ =	sdelay $0x3  }
.LBB1_6:
0x3c: {  	_ =	sfence.sel $0x180000  }
0x3d: {  	s2 =	simm.s32 $0x1;
	[bflag:$0x0] =	sbarrier.arrive $0xFFFF  }
0x3e: {  	s31 =	simm.s32 $0x2;
	[sflag:s2] =	ssyncpa.u1 $0x1  }
0x3f: {  	[sflag:s31] =	ssyncpa.u1 $0x1  }
0x40: {  	p0 =	sne.s32 s0, $0x0;
	_ =	strace $0x9000004A  }
0x41: {  	s0 =	sadd.s32 @!p0 $0x100000, s1;
	[bflag:$0x2] =	sbarrier.arrive $0xFFFF  }
0x42: {  	[sflag:s0] =	ssyncadd.tile.s32 @!p0 $0x1;
	_ =	shalt  }
.Lfunc_end1:
_tile_overlayer_lowered:
.L_overlay_start_2:
0x43: {  	(tag) =	ssettag $0x2  }
0x44: {  	s0 =	rddreg [dreg:$0x0];
	s2 =	stileid.u32  }
0x45: {  	s1 =	rddreg [dreg:$0x1];
	p0 =	sne.s32 s2, $0x0  }
0x46: {  	s3 =	rddreg [dreg:$0x2];
	[bflag:$0x3] =	sbarrier.arrive $0xFFFF;
	s2 =	simm.s32 @!p0 $0x1C01  }
0x47: {  	[timem:s3], [sflag:s2] =	dma.local @!p0 [hbm:s0], s1  }
0x48: {  	s0 =	simm.s32 @!p0 $0x1  }
0x49: {  	_ =	swait.ge @!p0 [sflag:s0], s1  }
0x4a: {  	s1 =	ssub.s32 @!p0 $0x0, s1;
	[sflag:s0] =	ssyncset.done @!p0 $0x0  }
0x4b: {  	[sflag:s0] =	ssyncadd.s32 @!p0 s1  }
0x4c: {  	[bflag:$0x3] =	sbarrier.arrive $0xFFFF  }
0x4d: {  	_ =	shalt  }

</sc_bundles>
